<compile_context>
chip_gen: v7x
topology: tpu7x:2x2x1
jax: 0.10.2.dev20260603
libtpu: 0.0.44.dev20260713+nightly
codegen_flags: <defaults>
</compile_context>

<pallas_src>
import jax
import jax.numpy as jnp
from jax import lax
from jax.experimental import pallas as pl
from jax.experimental.pallas import tpu as pltpu
from jax.experimental.pallas import tpu_sc as plsc

L = 16
N_CELLS = 4096
N_GENES = 5000
NB = N_CELLS * N_GENES
N_BUCKETS = 20
BUCKET = NB // N_BUCKETS
HSZ = BUCKET + 128
CH = 8192
WCH = 4000
TSLICE = BUCKET // L
N_HID = 10
ROWS = 1024
SBUF = (ROWS + 1) * L
PARK = ROWS * L


def _sc_body(idx_hbm, w1_hbm, b1_hbm, w2_hbm, b2_hbm, out_hbm,
             ibuf, sbuf, ones, cbuf, obuf, zbuf, w1v, b1v, w2v, b2v, hist,
             sem0, sem1):
  c = lax.axis_index("c")
  s = lax.axis_index("s")
  n = idx_hbm.shape[0]
  shard = n // L
  nchunks = shard // CH

  def _fill(buf, nv, val, dtype):
    @plsc.parallel_loop(0, nv // L, unroll=8)
    def body(i):
      buf[pl.ds(i * L, L)] = jnp.full((L,), val, dtype)

  _fill(ones, SBUF, 1.0, jnp.float32)
  _fill(zbuf, WCH, 0.0, jnp.float32)
  pltpu.sync_copy(w1_hbm, w1v)
  pltpu.sync_copy(b1_hbm, b1v)
  pltpu.sync_copy(w2_hbm, w2v)
  pltpu.sync_copy(b2_hbm, b2v)

  def zslice(j, x):
    pltpu.sync_copy(zbuf, hist.at[pl.ds(s * TSLICE + j * WCH, WCH)])
    return x
  lax.fori_loop(0, TSLICE // WCH, zslice, 0)

  @pl.when(s == 0)
  def _():
    pltpu.sync_copy(zbuf.at[pl.ds(0, 128)], hist.at[pl.ds(BUCKET, 128)])


  plsc.subcore_barrier()

  dummy_vec = (jnp.full((L,), BUCKET, jnp.int32)
               + lax.iota(jnp.int32, L) * jnp.int32(8))
  lane = lax.iota(jnp.int32, L)
  zero_vec = jnp.zeros((L,), jnp.int32)
  l_vec = jnp.full((L,), L, jnp.int32)

  def redummy():
    @plsc.parallel_loop(0, ROWS + 1, unroll=8)
    def body(t):
      sbuf[pl.ds(t * L, L)] = dummy_vec

  redummy()

  def flush():
    pltpu.sync_copy(ones, hist.at[sbuf], add=True)
    redummy()

  def process_chunk(bstatic, f, base):
    @plsc.parallel_loop(0, CH // L, carry=f, unroll=16)
    def vbody(g, f):
      v = ibuf[bstatic, pl.ds(g * L, L)]
      d = v - base
      m = (d >= jnp.int32(0)) & (d < jnp.int32(BUCKET))
      ring = (f & jnp.int32(PARK - L)) + lane
      pos = jnp.where(m, ring, jnp.int32(PARK) + lane)
      val = jnp.where(m, d, dummy_vec)
      plsc.store_scatter(sbuf, [pos], val)
      return f + jnp.where(m, l_vec, zero_vec)

    return vbody

  def pass_body(p, x):
    base = (c * jnp.int32(N_BUCKETS // 2) + p) * jnp.int32(BUCKET)

    def src(j):
      return idx_hbm.at[pl.ds(s * shard + j * CH, CH)]

    def check_flush():
      sentv = sbuf[pl.ds(0, L)]
      smin = sentv[0]
      for k in range(1, L):
        smin = jnp.minimum(smin, sentv[k])

      @pl.when(smin < jnp.int32(BUCKET))
      def _():
        flush()

    pltpu.async_copy(src(0), ibuf.at[0], sem0)

    def pair(jj, f):
      j0 = jj * 2
      pltpu.async_copy(src(j0 + 1), ibuf.at[1], sem1)
      pltpu.make_async_copy(src(0), ibuf.at[0], sem0).wait()
      f = process_chunk(0, f, base)
      check_flush()

      @pl.when(jj + 1 < nchunks // 2)
      def _():
        pltpu.async_copy(src(j0 + 2), ibuf.at[0], sem0)

      pltpu.make_async_copy(src(0), ibuf.at[1], sem1).wait()
      f = process_chunk(1, f, base)
      check_flush()
      return f

    lax.fori_loop(0, nchunks // 2, pair, zero_vec)
    flush()
    plsc.subcore_barrier()

    w1_vec = w1v[pl.ds(0, L)]
    b1_vec = b1v[pl.ds(0, L)]
    w2_vec = w2v[pl.ds(0, L)]
    b2_vec = b2v[pl.ds(0, L)]
    w1s = [w1_vec[k] for k in range(N_HID)]
    b1s = [b1_vec[k] for k in range(N_HID)]
    w2s = [w2_vec[k] for k in range(N_HID)]
    b2s = b2_vec[0]

    def wbody(j, y):
      off = s * TSLICE + j * WCH
      pltpu.sync_copy(hist.at[pl.ds(off, WCH)], cbuf)
      pltpu.sync_copy(zbuf, hist.at[pl.ds(off, WCH)])

      @plsc.parallel_loop(0, WCH // L, unroll=4)
      def mbody(g):
        cv = cbuf[pl.ds(g * L, L)]
        acc = jnp.full((L,), 0.0, jnp.float32) + b2s
        for k in range(N_HID):
          h = jnp.maximum(cv * w1s[k] + b1s[k], 0.0)
          acc = acc + h * w2s[k]
        obuf[pl.ds(g * L, L)] = acc
      pltpu.sync_copy(obuf, out_hbm.at[pl.ds(base + off, WCH)])
      return y

    lax.fori_loop(0, TSLICE // WCH, wbody, 0)
    plsc.subcore_barrier()
    return x

  lax.fori_loop(0, N_BUCKETS // 2, pass_body, 0)


@jax.jit
def _pooler(idx, w1p, b1p, w2p, b2p):
  mesh = plsc.VectorSubcoreMesh(core_axis_name="c", subcore_axis_name="s")
  f = pl.kernel(
      _sc_body,
      out_type=jax.ShapeDtypeStruct((NB,), jnp.float32),
      mesh=mesh,
      compiler_params=pltpu.CompilerParams(needs_layout_passes=False),
      scratch_types=[
          pltpu.VMEM((2, CH), jnp.int32),
          pltpu.VMEM((SBUF,), jnp.int32),
          pltpu.VMEM((SBUF,), jnp.float32),
          pltpu.VMEM((WCH,), jnp.float32),
          pltpu.VMEM((WCH,), jnp.float32),
          pltpu.VMEM((WCH,), jnp.float32),
          pltpu.VMEM((L,), jnp.float32),
          pltpu.VMEM((L,), jnp.float32),
          pltpu.VMEM((L,), jnp.float32),
          pltpu.VMEM((L,), jnp.float32),
          pltpu.VMEM_SHARED((HSZ,), jnp.float32),
          pltpu.SemaphoreType.DMA,
          pltpu.SemaphoreType.DMA,
      ],
  )
  return f(idx, w1p, b1p, w2p, b2p)


def kernel(cellxgene_ix, weights, n_cells, n_genes, W1, b1, W2, b2):
  del weights, n_cells, n_genes
  idx = cellxgene_ix.astype(jnp.int32)
  assert idx.shape[0] % (L * CH * 2) == 0

  def pad16(a):
    a = a.reshape(-1).astype(jnp.float32)
    return jnp.pad(a, (0, L - a.shape[0]))

  out = _pooler(idx, pad16(W1), pad16(b1), pad16(W2), pad16(b2))
  return out.reshape(N_CELLS, N_GENES)

# --- scband reference (transcript-rebuilt; emitter-appended) ---
"""Pipeline reference for scband-fragment-number-gene-pooler-1443109012236 (READ-ONLY COPY).

The authoritative reference and input builder live on the scoring server;
editing this copy changes nothing except your own understanding.
"""

import jax, jax.numpy as jnp
import numpy as np


def setup_inputs(seed: int = 0) -> dict:
    key = jax.random.key(seed)
    k1, k2, k3, k4 = jax.random.split(key, 4)
    n_cells = 4096
    n_genes = 5000
    N = 16777216
    cellxgene_ix = jax.random.randint(k1, (N,), 0, n_cells * n_genes)
    weights = jax.random.normal(k2, (N,), dtype=jnp.float32)
    # Parameters of nn.Sequential(Linear(1,10), ReLU, Linear(10,1)); last weight zeroed per __init__
    W1 = jax.random.normal(k3, (10, 1), dtype=jnp.float32) * 0.5
    b1 = jax.random.normal(k4, (10,), dtype=jnp.float32) * 0.1
    W2 = jnp.zeros((1, 10), dtype=jnp.float32)
    b2 = jnp.zeros((1,), dtype=jnp.float32)
    return {
        "cellxgene_ix": cellxgene_ix,
        "weights": weights,
        "n_cells": n_cells,
        "n_genes": n_genes,
        "W1": W1,
        "b1": b1,
        "W2": W2,
        "b2": b2,
    }


def reference(cellxgene_ix, weights, n_cells, n_genes, W1, b1, W2, b2):
    n_cells_static = 4096
    n_genes_static = 5000
    ix = cellxgene_ix % (n_cells * n_genes)
    # torch.bincount(cellxgene_ix, minlength=n_cells*n_genes)
    counts = jnp.bincount(ix, length=n_cells_static * n_genes_static)
    n_fragments = counts.reshape(n_cells_static, n_genes_static).astype(jnp.float32)
    # self.nn(n_fragments.unsqueeze(-1)).squeeze(-1)
    x = n_fragments[..., None]              # (n_cells, n_genes, 1)
    h = jax.nn.relu(x @ W1.T + b1)          # (n_cells, n_genes, 10)
    out = (h @ W2.T + b2)[..., 0]           # (n_cells, n_genes)
    return out

if __name__ == "__main__":
    import jax
    _d = setup_inputs()
    print(jax.jit(kernel)(*tuple(_d.values())))

</pallas_src>

<mosaic_0001>
#map = affine_map<(d0, d1) -> (0)>
module attributes {stable_mosaic.version = 14 : i64} {
  func.func @_sc_body(%arg0: i32, %arg1: i32, %arg2: memref<16777216xi32, #tpu.memory_space<hbm>>, %arg3: memref<16xf32, #tpu.memory_space<hbm>>, %arg4: memref<16xf32, #tpu.memory_space<hbm>>, %arg5: memref<16xf32, #tpu.memory_space<hbm>>, %arg6: memref<16xf32, #tpu.memory_space<hbm>>, %arg7: memref<20480000xf32, #tpu.memory_space<hbm>>, %arg8: memref<2x8192xi32, #tpu.memory_space<vmem>>, %arg9: memref<16400xi32, #tpu.memory_space<vmem>>, %arg10: memref<16400xf32, #tpu.memory_space<vmem>>, %arg11: memref<4000xf32, #tpu.memory_space<vmem>>, %arg12: memref<4000xf32, #tpu.memory_space<vmem>>, %arg13: memref<4000xf32, #tpu.memory_space<vmem>>, %arg14: memref<16xf32, #tpu.memory_space<vmem>>, %arg15: memref<16xf32, #tpu.memory_space<vmem>>, %arg16: memref<16xf32, #tpu.memory_space<vmem>>, %arg17: memref<16xf32, #tpu.memory_space<vmem>>, %arg18: memref<1024128xf32, #tpu.memory_space<vmem_shared>>, %arg19: memref<!tpu.dma_semaphore, #tpu.memory_space<semaphore_mem>>, %arg20: memref<!tpu.dma_semaphore, #tpu.memory_space<semaphore_mem>>) attributes {dimension_semantics = [#tpu.dimension_semantics<core_parallel>, #tpu.dimension_semantics<subcore_parallel>], iteration_bounds = array<i64: 2, 16>, scalar_prefetch = 0 : i64, scratch_operands = 13 : i64, tpu.core_type = #tpu.core_type<sc_vector_subcore>, window_params = [{transform_indices = #map}, {transform_indices = #map}, {transform_indices = #map}, {transform_indices = #map}, {transform_indices = #map}, {transform_indices = #map}]} {
    %parallel_loop3A = arith.constant 0 : i32
    %parallel_loop3A_0 = arith.constant 1025 : i32
    %parallel_loop3A_1 = arith.constant 1 : i32
    scf.for %parallel_loop3A_29 = %parallel_loop3A to %parallel_loop3A_0 step %parallel_loop3A_1  : i32 {
      %parallel_loop3A_30 = arith.constant 1.000000e+00 : f32
      %parallel_loop3A_31 = vector.broadcast %parallel_loop3A_30 : f32 to vector<16xf32>
      %parallel_loop3A_32 = arith.constant 16 : i32
      %parallel_loop3A_33 = arith.muli %parallel_loop3A_29, %parallel_loop3A_32 : i32
      %parallel_loop3A_34 = arith.index_cast %parallel_loop3A_33 : i32 to index
      %parallel_loop3A_35 = tpu.vector_load %arg10[%parallel_loop3A_34] {strides = array<i32>} : memref<16400xf32, #tpu.memory_space<vmem>>, vector<16xf32>,
      tpu.vector_store %arg10[%parallel_loop3A_34], %parallel_loop3A_31 {strides = array<i32>} : memref<16400xf32, #tpu.memory_space<vmem>>, vector<16xf32>,
    } {sc.loop_unroll_factor = 8 : i64, sc.parallel_access}
    %parallel_loop3A_2 = arith.constant 0 : i32
    %parallel_loop3A_3 = arith.constant 250 : i32
    %parallel_loop3A_4 = arith.constant 1 : i32
    scf.for %parallel_loop3A_29 = %parallel_loop3A_2 to %parallel_loop3A_3 step %parallel_loop3A_4  : i32 {
      %parallel_loop3A_30 = arith.constant 0.000000e+00 : f32
      %parallel_loop3A_31 = vector.broadcast %parallel_loop3A_30 : f32 to vector<16xf32>
      %parallel_loop3A_32 = arith.constant 16 : i32
      %parallel_loop3A_33 = arith.muli %parallel_loop3A_29, %parallel_loop3A_32 : i32
      %parallel_loop3A_34 = arith.index_cast %parallel_loop3A_33 : i32 to index
      %parallel_loop3A_35 = tpu.vector_load %arg13[%parallel_loop3A_34] {strides = array<i32>} : memref<4000xf32, #tpu.memory_space<vmem>>, vector<16xf32>,
      tpu.vector_store %arg13[%parallel_loop3A_34], %parallel_loop3A_31 {strides = array<i32>} : memref<4000xf32, #tpu.memory_space<vmem>>, vector<16xf32>,
    } {sc.loop_unroll_factor = 8 : i64, sc.parallel_access}
    "tpu.region"() ({
      %run_scoped3A = tpu.sem_alloc : memref<!tpu.dma_semaphore, #tpu.memory_space<semaphore_mem>>
      tpu.enqueue_dma source(%arg3 : memref<16xf32, #tpu.memory_space<hbm>>) target(%arg14 : memref<16xf32, #tpu.memory_space<vmem>>) target_semaphore(%run_scoped3A : memref<!tpu.dma_semaphore, #tpu.memory_space<semaphore_mem>>)
      tpu.wait_dma2 semaphore(%run_scoped3A : memref<!tpu.dma_semaphore, #tpu.memory_space<semaphore_mem>>) src(%arg3 : memref<16xf32, #tpu.memory_space<hbm>>) dst(%arg14 : memref<16xf32, #tpu.memory_space<vmem>>)
      tpu.yield
    }) : () -> ()
    "tpu.region"() ({
      %run_scoped3A = tpu.sem_alloc : memref<!tpu.dma_semaphore, #tpu.memory_space<semaphore_mem>>
      tpu.enqueue_dma source(%arg4 : memref<16xf32, #tpu.memory_space<hbm>>) target(%arg15 : memref<16xf32, #tpu.memory_space<vmem>>) target_semaphore(%run_scoped3A : memref<!tpu.dma_semaphore, #tpu.memory_space<semaphore_mem>>)
      tpu.wait_dma2 semaphore(%run_scoped3A : memref<!tpu.dma_semaphore, #tpu.memory_space<semaphore_mem>>) src(%arg4 : memref<16xf32, #tpu.memory_space<hbm>>) dst(%arg15 : memref<16xf32, #tpu.memory_space<vmem>>)
      tpu.yield
    }) : () -> ()
    "tpu.region"() ({
      %run_scoped3A = tpu.sem_alloc : memref<!tpu.dma_semaphore, #tpu.memory_space<semaphore_mem>>
      tpu.enqueue_dma source(%arg5 : memref<16xf32, #tpu.memory_space<hbm>>) target(%arg16 : memref<16xf32, #tpu.memory_space<vmem>>) target_semaphore(%run_scoped3A : memref<!tpu.dma_semaphore, #tpu.memory_space<semaphore_mem>>)
      tpu.wait_dma2 semaphore(%run_scoped3A : memref<!tpu.dma_semaphore, #tpu.memory_space<semaphore_mem>>) src(%arg5 : memref<16xf32, #tpu.memory_space<hbm>>) dst(%arg16 : memref<16xf32, #tpu.memory_space<vmem>>)
      tpu.yield
    }) : () -> ()
    "tpu.region"() ({
      %run_scoped3A = tpu.sem_alloc : memref<!tpu.dma_semaphore, #tpu.memory_space<semaphore_mem>>
      tpu.enqueue_dma source(%arg6 : memref<16xf32, #tpu.memory_space<hbm>>) target(%arg17 : memref<16xf32, #tpu.memory_space<vmem>>) target_semaphore(%run_scoped3A : memref<!tpu.dma_semaphore, #tpu.memory_space<semaphore_mem>>)
      tpu.wait_dma2 semaphore(%run_scoped3A : memref<!tpu.dma_semaphore, #tpu.memory_space<semaphore_mem>>) src(%arg6 : memref<16xf32, #tpu.memory_space<hbm>>) dst(%arg17 : memref<16xf32, #tpu.memory_space<vmem>>)
      tpu.yield
    }) : () -> ()
    %scan3A = arith.constant 0 : i32
    %scan3A_5 = arith.constant 0 : i32
    %scan3A_6 = arith.constant 16 : i32
    %scan3A_7 = arith.addi %scan3A_5, %scan3A_6 : i32
    %scan3A_8 = arith.constant 1 : i32
    scf.for %scan3A_29 = %scan3A_5 to %scan3A_7 step %scan3A_8  : i32 {
      %mul3A_30 = arith.constant 64000 : i32
      %mul3A_31 = arith.muli %arg1, %mul3A_30 : i32
      %mul3A_32 = arith.constant 4000 : i32
      %mul3A_33 = arith.muli %scan3A_29, %mul3A_32 : i32
      %add3A_34 = arith.addi %mul3A_31, %mul3A_33 : i32
      "tpu.region"() ({
        %run_scoped3A = tpu.sem_alloc : memref<!tpu.dma_semaphore, #tpu.memory_space<semaphore_mem>>
        %dma_start3A = tpu.memref_slice %arg18[%add3A_34] : memref<1024128xf32, #tpu.memory_space<vmem_shared>> -> memref<4000xf32, #tpu.memory_space<vmem_shared>>
        %dma_start3A_35 = tpu.memref_slice %arg18[%add3A_34] : memref<1024128xf32, #tpu.memory_space<vmem_shared>> -> memref<4000xf32, #tpu.memory_space<vmem_shared>>
        tpu.enqueue_dma source(%arg13 : memref<4000xf32, #tpu.memory_space<vmem>>) target(%dma_start3A_35 : memref<4000xf32, #tpu.memory_space<vmem_shared>>) target_semaphore(%run_scoped3A : memref<!tpu.dma_semaphore, #tpu.memory_space<semaphore_mem>>)
        %dma_wait3A = tpu.memref_slice %arg18[%add3A_34] : memref<1024128xf32, #tpu.memory_space<vmem_shared>> -> memref<4000xf32, #tpu.memory_space<vmem_shared>>
        %dma_wait3A_36 = tpu.memref_slice %arg18[%add3A_34] : memref<1024128xf32, #tpu.memory_space<vmem_shared>> -> memref<4000xf32, #tpu.memory_space<vmem_shared>>
        tpu.wait_dma2 semaphore(%run_scoped3A : memref<!tpu.dma_semaphore, #tpu.memory_space<semaphore_mem>>) src(%arg13 : memref<4000xf32, #tpu.memory_space<vmem>>) dst(%dma_wait3A_36 : memref<4000xf32, #tpu.memory_space<vmem_shared>>)
        tpu.yield
      }) : () -> ()
    }
    %scan3A_9 = arith.constant 16 : i32
    %eq3A = arith.constant 0 : i32
    %eq3A_10 = arith.cmpi eq, %arg1, %eq3A : i32
    %convert_element_type3A = arith.extui %eq3A_10 : i1 to i32
    %cond3A = arith.constant 0 : i32
    %cond3A_11 = arith.cmpi ne, %convert_element_type3A, %cond3A : i32
    scf.if %cond3A_11 {
      "tpu.region"() ({
        %run_scoped3A = tpu.sem_alloc : memref<!tpu.dma_semaphore, #tpu.memory_space<semaphore_mem>>
        %dma_start3A = arith.constant 0 : i32
        %dma_start3A_29 = tpu.memref_slice %arg13[%dma_start3A] : memref<4000xf32, #tpu.memory_space<vmem>> -> memref<128xf32, #tpu.memory_space<vmem>>
        %dma_start3A_30 = arith.constant 1024000 : i32
        %dma_start3A_31 = tpu.memref_slice %arg18[%dma_start3A_30] : memref<1024128xf32, #tpu.memory_space<vmem_shared>> -> memref<128xf32, #tpu.memory_space<vmem_shared>>
        %dma_start3A_32 = arith.constant 1024000 : i32
        %dma_start3A_33 = tpu.memref_slice %arg18[%dma_start3A_32] : memref<1024128xf32, #tpu.memory_space<vmem_shared>> -> memref<128xf32, #tpu.memory_space<vmem_shared>>
        %dma_start3A_34 = arith.constant 0 : i32
        %dma_start3A_35 = tpu.memref_slice %arg13[%dma_start3A_34] : memref<4000xf32, #tpu.memory_space<vmem>> -> memref<128xf32, #tpu.memory_space<vmem>>
        tpu.enqueue_dma source(%dma_start3A_35 : memref<128xf32, #tpu.memory_space<vmem>>) target(%dma_start3A_33 : memref<128xf32, #tpu.memory_space<vmem_shared>>) target_semaphore(%run_scoped3A : memref<!tpu.dma_semaphore, #tpu.memory_space<semaphore_mem>>)
        %dma_wait3A = arith.constant 0 : i32
        %dma_wait3A_36 = tpu.memref_slice %arg13[%dma_wait3A] : memref<4000xf32, #tpu.memory_space<vmem>> -> memref<128xf32, #tpu.memory_space<vmem>>
        %dma_wait3A_37 = arith.constant 1024000 : i32
        %dma_wait3A_38 = tpu.memref_slice %arg18[%dma_wait3A_37] : memref<1024128xf32, #tpu.memory_space<vmem_shared>> -> memref<128xf32, #tpu.memory_space<vmem_shared>>
        %dma_wait3A_39 = arith.constant 1024000 : i32
        %dma_wait3A_40 = tpu.memref_slice %arg18[%dma_wait3A_39] : memref<1024128xf32, #tpu.memory_space<vmem_shared>> -> memref<128xf32, #tpu.memory_space<vmem_shared>>
        %dma_wait3A_41 = arith.constant 0 : i32
        %dma_wait3A_42 = tpu.memref_slice %arg13[%dma_wait3A_41] : memref<4000xf32, #tpu.memory_space<vmem>> -> memref<128xf32, #tpu.memory_space<vmem>>
        tpu.wait_dma2 semaphore(%run_scoped3A : memref<!tpu.dma_semaphore, #tpu.memory_space<semaphore_mem>>) src(%dma_wait3A_42 : memref<128xf32, #tpu.memory_space<vmem>>) dst(%dma_wait3A_40 : memref<128xf32, #tpu.memory_space<vmem_shared>>)
        tpu.yield
      }) : () -> ()
    } else {
    }
    %barrier3A = arith.constant 0 : index
    tpu.barrier barrier_id(%barrier3A)
    %broadcast_in_dim3A = arith.constant 1024000 : i32
    %broadcast_in_dim3A_12 = vector.broadcast %broadcast_in_dim3A : i32 to vector<16xi32>
    %iota3A = tpu.iota {dimensions = array<i32: 0>} : vector<16xi32>
    %mul3A = arith.constant 8 : i32
    %mul3A_13 = vector.broadcast %mul3A : i32 to vector<16xi32>
    %mul3A_14 = arith.muli %iota3A, %mul3A_13 : vector<16xi32>
    %add3A = arith.addi %broadcast_in_dim3A_12, %mul3A_14 : vector<16xi32>
    %iota3A_15 = tpu.iota {dimensions = array<i32: 0>} : vector<16xi32>
    %broadcast_in_dim3A_16 = arith.constant 0 : i32
    %broadcast_in_dim3A_17 = vector.broadcast %broadcast_in_dim3A_16 : i32 to vector<16xi32>
    %broadcast_in_dim3A_18 = arith.constant 16 : i32
    %broadcast_in_dim3A_19 = vector.broadcast %broadcast_in_dim3A_18 : i32 to vector<16xi32>
    %parallel_loop3A_20 = arith.constant 0 : i32
    %parallel_loop3A_21 = arith.constant 1025 : i32
    %parallel_loop3A_22 = arith.constant 1 : i32
    scf.for %parallel_loop3A_29 = %parallel_loop3A_20 to %parallel_loop3A_21 step %parallel_loop3A_22  : i32 {
      %parallel_loop3A_30 = arith.constant 16 : i32
      %parallel_loop3A_31 = arith.muli %parallel_loop3A_29, %parallel_loop3A_30 : i32
      %parallel_loop3A_32 = arith.index_cast %parallel_loop3A_31 : i32 to index
      %parallel_loop3A_33 = tpu.vector_load %arg9[%parallel_loop3A_32] {strides = array<i32>} : memref<16400xi32, #tpu.memory_space<vmem>>, vector<16xi32>,
      tpu.vector_store %arg9[%parallel_loop3A_32], %add3A {strides = array<i32>} : memref<16400xi32, #tpu.memory_space<vmem>>, vector<16xi32>,
    } {sc.loop_unroll_factor = 8 : i64, sc.parallel_access}
    %scan3A_23 = arith.constant 0 : i32
    %scan3A_24 = arith.constant 0 : i32
    %scan3A_25 = arith.constant 10 : i32
    %scan3A_26 = arith.addi %scan3A_24, %scan3A_25 : i32
    %scan3A_27 = arith.constant 1 : i32
    scf.for %scan3A_29 = %scan3A_24 to %scan3A_26 step %scan3A_27  : i32 {
      %mul3A_30 = arith.constant 10 : i32
      %mul3A_31 = arith.muli %arg0, %mul3A_30 : i32
      %add3A_32 = arith.addi %mul3A_31, %scan3A_29 : i32
      %mul3A_33 = arith.constant 1024000 : i32
      %mul3A_34 = arith.muli %add3A_32, %mul3A_33 : i32
      %mul3A_35 = arith.constant 1048576 : i32
      %mul3A_36 = arith.muli %arg1, %mul3A_35 : i32
      %add3A_37 = arith.constant 0 : i32
      %add3A_38 = arith.addi %mul3A_36, %add3A_37 : i32
      %dma_start3A = arith.constant 0 : i32
      %dma_start3A_39 = arith.constant 0 : i32
      %dma_start3A_40 = tpu.memref_slice %arg8[%dma_start3A, %dma_start3A_39] : memref<2x8192xi32, #tpu.memory_space<vmem>> -> memref<1x8192xi32, #tpu.memory_space<vmem>>
      %dma_start3A_41 = tpu.memref_squeeze %dma_start3A_40 : memref<1x8192xi32, #tpu.memory_space<vmem>> -> memref<8192xi32, #tpu.memory_space<vmem>>
      %dma_start3A_42 = tpu.memref_slice %arg2[%add3A_38] : memref<16777216xi32, #tpu.memory_space<hbm>> -> memref<8192xi32, #tpu.memory_space<hbm>>
      %dma_start3A_43 = arith.constant 0 : i32
      %dma_start3A_44 = tpu.memref_slice %arg8[%dma_start3A, %dma_start3A_43] : memref<2x8192xi32, #tpu.memory_space<vmem>> -> memref<1x8192xi32, #tpu.memory_space<vmem>>
      %dma_start3A_45 = tpu.memref_squeeze %dma_start3A_44 : memref<1x8192xi32, #tpu.memory_space<vmem>> -> memref<8192xi32, #tpu.memory_space<vmem>>
      %dma_start3A_46 = tpu.memref_slice %arg2[%add3A_38] : memref<16777216xi32, #tpu.memory_space<hbm>> -> memref<8192xi32, #tpu.memory_space<hbm>>
      tpu.enqueue_dma source(%dma_start3A_46 : memref<8192xi32, #tpu.memory_space<hbm>>) target(%dma_start3A_45 : memref<8192xi32, #tpu.memory_space<vmem>>) target_semaphore(%arg19 : memref<!tpu.dma_semaphore, #tpu.memory_space<semaphore_mem>>)
      %scan3A_47 = arith.constant 0 : i32
      %scan3A_48 = arith.constant 64 : i32
      %scan3A_49 = arith.addi %scan3A_47, %scan3A_48 : i32
      %scan3A_50 = arith.constant 1 : i32
      %scan3A_51 = scf.for %scan3A_131 = %scan3A_47 to %scan3A_49 step %scan3A_50 iter_args(%scan3A_132 = %broadcast_in_dim3A_17) -> (vector<16xi32>)  : i32 {
        %mul3A_133 = arith.constant 2 : i32
        %mul3A_134 = arith.muli %scan3A_131, %mul3A_133 : i32
        %add3A_135 = arith.constant 1 : i32
        %add3A_136 = arith.addi %mul3A_134, %add3A_135 : i32
        %mul3A_137 = arith.constant 1048576 : i32
        %mul3A_138 = arith.muli %arg1, %mul3A_137 : i32
        %mul3A_139 = arith.constant 8192 : i32
        %mul3A_140 = arith.muli %add3A_136, %mul3A_139 : i32
        %add3A_141 = arith.addi %mul3A_138, %mul3A_140 : i32
        %dma_start3A_142 = arith.constant 1 : i32
        %dma_start3A_143 = arith.constant 0 : i32
        %dma_start3A_144 = tpu.memref_slice %arg8[%dma_start3A_142, %dma_start3A_143] : memref<2x8192xi32, #tpu.memory_space<vmem>> -> memref<1x8192xi32, #tpu.memory_space<vmem>>
        %dma_start3A_145 = tpu.memref_squeeze %dma_start3A_144 : memref<1x8192xi32, #tpu.memory_space<vmem>> -> memref<8192xi32, #tpu.memory_space<vmem>>
        %dma_start3A_146 = tpu.memref_slice %arg2[%add3A_141] : memref<16777216xi32, #tpu.memory_space<hbm>> -> memref<8192xi32, #tpu.memory_space<hbm>>
        %dma_start3A_147 = arith.constant 0 : i32
        %dma_start3A_148 = tpu.memref_slice %arg8[%dma_start3A_142, %dma_start3A_147] : memref<2x8192xi32, #tpu.memory_space<vmem>> -> memref<1x8192xi32, #tpu.memory_space<vmem>>
        %dma_start3A_149 = tpu.memref_squeeze %dma_start3A_148 : memref<1x8192xi32, #tpu.memory_space<vmem>> -> memref<8192xi32, #tpu.memory_space<vmem>>
        %dma_start3A_150 = tpu.memref_slice %arg2[%add3A_141] : memref<16777216xi32, #tpu.memory_space<hbm>> -> memref<8192xi32, #tpu.memory_space<hbm>>
        tpu.enqueue_dma source(%dma_start3A_150 : memref<8192xi32, #tpu.memory_space<hbm>>) target(%dma_start3A_149 : memref<8192xi32, #tpu.memory_space<vmem>>) target_semaphore(%arg20 : memref<!tpu.dma_semaphore, #tpu.memory_space<semaphore_mem>>)
        %mul3A_151 = arith.constant 1048576 : i32
        %mul3A_152 = arith.muli %arg1, %mul3A_151 : i32
        %add3A_153 = arith.constant 0 : i32
        %add3A_154 = arith.addi %mul3A_152, %add3A_153 : i32
        %dma_wait3A = arith.constant 0 : i32
        %dma_wait3A_155 = arith.constant 0 : i32
        %dma_wait3A_156 = tpu.memref_slice %arg8[%dma_wait3A, %dma_wait3A_155] : memref<2x8192xi32, #tpu.memory_space<vmem>> -> memref<1x8192xi32, #tpu.memory_space<vmem>>
        %dma_wait3A_157 = tpu.memref_squeeze %dma_wait3A_156 : memref<1x8192xi32, #tpu.memory_space<vmem>> -> memref<8192xi32, #tpu.memory_space<vmem>>
        %dma_wait3A_158 = tpu.memref_slice %arg2[%add3A_154] : memref<16777216xi32, #tpu.memory_space<hbm>> -> memref<8192xi32, #tpu.memory_space<hbm>>
        %dma_wait3A_159 = arith.constant 0 : i32
        %dma_wait3A_160 = tpu.memref_slice %arg8[%dma_wait3A, %dma_wait3A_159] : memref<2x8192xi32, #tpu.memory_space<vmem>> -> memref<1x8192xi32, #tpu.memory_space<vmem>>
        %dma_wait3A_161 = tpu.memref_squeeze %dma_wait3A_160 : memref<1x8192xi32, #tpu.memory_space<vmem>> -> memref<8192xi32, #tpu.memory_space<vmem>>
        %dma_wait3A_162 = tpu.memref_slice %arg2[%add3A_154] : memref<16777216xi32, #tpu.memory_space<hbm>> -> memref<8192xi32, #tpu.memory_space<hbm>>
        tpu.wait_dma2 semaphore(%arg19 : memref<!tpu.dma_semaphore, #tpu.memory_space<semaphore_mem>>) src(%dma_wait3A_162 : memref<8192xi32, #tpu.memory_space<hbm>>) dst(%dma_wait3A_161 : memref<8192xi32, #tpu.memory_space<vmem>>)
        %parallel_loop3A_163 = arith.constant 0 : i32
        %parallel_loop3A_164 = arith.constant 512 : i32
        %parallel_loop3A_165 = arith.constant 1 : i32
        %parallel_loop3A_166 = scf.for %parallel_loop3A_297 = %parallel_loop3A_163 to %parallel_loop3A_164 step %parallel_loop3A_165 iter_args(%parallel_loop3A_298 = %scan3A_132) -> (vector<16xi32>)  : i32 {
          %parallel_loop3A_299 = arith.constant 16 : i32
          %parallel_loop3A_300 = arith.muli %parallel_loop3A_297, %parallel_loop3A_299 : i32
          %parallel_loop3A_301 = arith.constant 0 : i32
          %parallel_loop3A_302 = arith.index_cast %parallel_loop3A_301 : i32 to index
          %parallel_loop3A_303 = arith.index_cast %parallel_loop3A_300 : i32 to index
          %parallel_loop3A_304 = tpu.vector_load %arg8[%parallel_loop3A_302, %parallel_loop3A_303] {strides = array<i32>} : memref<2x8192xi32, #tpu.memory_space<vmem>>, vector<16xi32>,
          %parallel_loop3A_305 = vector.broadcast %mul3A_34 : i32 to vector<16xi32>
          %parallel_loop3A_306 = arith.subi %parallel_loop3A_304, %parallel_loop3A_305 : vector<16xi32>
          %parallel_loop3A_307 = arith.constant 0 : i32
          %parallel_loop3A_308 = vector.broadcast %parallel_loop3A_307 : i32 to vector<16xi32>
          %parallel_loop3A_309 = arith.cmpi sge, %parallel_loop3A_306, %parallel_loop3A_308 : vector<16xi32>
          %parallel_loop3A_310 = arith.constant 1024000 : i32
          %parallel_loop3A_311 = vector.broadcast %parallel_loop3A_310 : i32 to vector<16xi32>
          %parallel_loop3A_312 = arith.cmpi slt, %parallel_loop3A_306, %parallel_loop3A_311 : vector<16xi32>
          %parallel_loop3A_313 = arith.andi %parallel_loop3A_309, %parallel_loop3A_312 : vector<16xi1>
          %parallel_loop3A_314 = arith.constant 16368 : i32
          %parallel_loop3A_315 = vector.broadcast %parallel_loop3A_314 : i32 to vector<16xi32>
          %parallel_loop3A_316 = arith.andi %parallel_loop3A_298, %parallel_loop3A_315 : vector<16xi32>
          %parallel_loop3A_317 = arith.addi %parallel_loop3A_316, %iota3A_15 : vector<16xi32>
          %parallel_loop3A_318 = arith.constant 16384 : i32
          %parallel_loop3A_319 = vector.broadcast %parallel_loop3A_318 : i32 to vector<16xi32>
          %parallel_loop3A_320 = arith.addi %parallel_loop3A_319, %iota3A_15 : vector<16xi32>
          %parallel_loop3A_321 = arith.select %parallel_loop3A_313, %parallel_loop3A_317, %parallel_loop3A_320 : vector<16xi1>, vector<16xi32>
          %parallel_loop3A_322 = arith.select %parallel_loop3A_313, %parallel_loop3A_306, %add3A : vector<16xi1>, vector<16xi32>
          tpu.vector_store_idx %arg9[%parallel_loop3A_321], %parallel_loop3A_322 : memref<16400xi32, #tpu.memory_space<vmem>>[vector<16xi32>], vector<16xi32>,
          %parallel_loop3A_323 = arith.select %parallel_loop3A_313, %broadcast_in_dim3A_19, %broadcast_in_dim3A_17 : vector<16xi1>, vector<16xi32>
          %parallel_loop3A_324 = arith.addi %parallel_loop3A_298, %parallel_loop3A_323 : vector<16xi32>
          scf.yield %parallel_loop3A_324 : vector<16xi32>
        } {sc.loop_unroll_factor = 16 : i64, sc.parallel_access}
        %get3A_167 = arith.constant 0 : index
        %get3A_168 = tpu.vector_load %arg9[%get3A_167] {strides = array<i32>} : memref<16400xi32, #tpu.memory_space<vmem>>, vector<16xi32>,
        %slice3A_169 = vector.extract_strided_slice %get3A_168 {offsets = [0], sizes = [1], strides = [1]} : vector<16xi32> to vector<1xi32>
        %squeeze3A_170 = vector.extract %slice3A_169[0] : i32 from vector<1xi32>
        %slice3A_171 = vector.extract_strided_slice %get3A_168 {offsets = [1], sizes = [1], strides = [1]} : vector<16xi32> to vector<1xi32>
        %squeeze3A_172 = vector.extract %slice3A_171[0] : i32 from vector<1xi32>
        %min3A = arith.minsi %squeeze3A_170, %squeeze3A_172 : i32
        %slice3A_173 = vector.extract_strided_slice %get3A_168 {offsets = [2], sizes = [1], strides = [1]} : vector<16xi32> to vector<1xi32>
        %squeeze3A_174 = vector.extract %slice3A_173[0] : i32 from vector<1xi32>
        %min3A_175 = arith.minsi %min3A, %squeeze3A_174 : i32
        %slice3A_176 = vector.extract_strided_slice %get3A_168 {offsets = [3], sizes = [1], strides = [1]} : vector<16xi32> to vector<1xi32>
        %squeeze3A_177 = vector.extract %slice3A_176[0] : i32 from vector<1xi32>
        %min3A_178 = arith.minsi %min3A_175, %squeeze3A_177 : i32
        %slice3A_179 = vector.extract_strided_slice %get3A_168 {offsets = [4], sizes = [1], strides = [1]} : vector<16xi32> to vector<1xi32>
        %squeeze3A_180 = vector.extract %slice3A_179[0] : i32 from vector<1xi32>
        %min3A_181 = arith.minsi %min3A_178, %squeeze3A_180 : i32
        %slice3A_182 = vector.extract_strided_slice %get3A_168 {offsets = [5], sizes = [1], strides = [1]} : vector<16xi32> to vector<1xi32>
        %squeeze3A_183 = vector.extract %slice3A_182[0] : i32 from vector<1xi32>
        %min3A_184 = arith.minsi %min3A_181, %squeeze3A_183 : i32
        %slice3A_185 = vector.extract_strided_slice %get3A_168 {offsets = [6], sizes = [1], strides = [1]} : vector<16xi32> to vector<1xi32>
        %squeeze3A_186 = vector.extract %slice3A_185[0] : i32 from vector<1xi32>
        %min3A_187 = arith.minsi %min3A_184, %squeeze3A_186 : i32
        %slice3A_188 = vector.extract_strided_slice %get3A_168 {offsets = [7], sizes = [1], strides = [1]} : vector<16xi32> to vector<1xi32>
        %squeeze3A_189 = vector.extract %slice3A_188[0] : i32 from vector<1xi32>
        %min3A_190 = arith.minsi %min3A_187, %squeeze3A_189 : i32
        %slice3A_191 = vector.extract_strided_slice %get3A_168 {offsets = [8], sizes = [1], strides = [1]} : vector<16xi32> to vector<1xi32>
        %squeeze3A_192 = vector.extract %slice3A_191[0] : i32 from vector<1xi32>
        %min3A_193 = arith.minsi %min3A_190, %squeeze3A_192 : i32
        %slice3A_194 = vector.extract_strided_slice %get3A_168 {offsets = [9], sizes = [1], strides = [1]} : vector<16xi32> to vector<1xi32>
        %squeeze3A_195 = vector.extract %slice3A_194[0] : i32 from vector<1xi32>
        %min3A_196 = arith.minsi %min3A_193, %squeeze3A_195 : i32
        %slice3A_197 = vector.extract_strided_slice %get3A_168 {offsets = [10], sizes = [1], strides = [1]} : vector<16xi32> to vector<1xi32>
        %squeeze3A_198 = vector.extract %slice3A_197[0] : i32 from vector<1xi32>
        %min3A_199 = arith.minsi %min3A_196, %squeeze3A_198 : i32
        %slice3A_200 = vector.extract_strided_slice %get3A_168 {offsets = [11], sizes = [1], strides = [1]} : vector<16xi32> to vector<1xi32>
        %squeeze3A_201 = vector.extract %slice3A_200[0] : i32 from vector<1xi32>
        %min3A_202 = arith.minsi %min3A_199, %squeeze3A_201 : i32
        %slice3A_203 = vector.extract_strided_slice %get3A_168 {offsets = [12], sizes = [1], strides = [1]} : vector<16xi32> to vector<1xi32>
        %squeeze3A_204 = vector.extract %slice3A_203[0] : i32 from vector<1xi32>
        %min3A_205 = arith.minsi %min3A_202, %squeeze3A_204 : i32
        %slice3A_206 = vector.extract_strided_slice %get3A_168 {offsets = [13], sizes = [1], strides = [1]} : vector<16xi32> to vector<1xi32>
        %squeeze3A_207 = vector.extract %slice3A_206[0] : i32 from vector<1xi32>
        %min3A_208 = arith.minsi %min3A_205, %squeeze3A_207 : i32
        %slice3A_209 = vector.extract_strided_slice %get3A_168 {offsets = [14], sizes = [1], strides = [1]} : vector<16xi32> to vector<1xi32>
        %squeeze3A_210 = vector.extract %slice3A_209[0] : i32 from vector<1xi32>
        %min3A_211 = arith.minsi %min3A_208, %squeeze3A_210 : i32
        %slice3A_212 = vector.extract_strided_slice %get3A_168 {offsets = [15], sizes = [1], strides = [1]} : vector<16xi32> to vector<1xi32>
        %squeeze3A_213 = vector.extract %slice3A_212[0] : i32 from vector<1xi32>
        %min3A_214 = arith.minsi %min3A_211, %squeeze3A_213 : i32
        %lt3A = arith.constant 1024000 : i32
        %lt3A_215 = arith.cmpi slt, %min3A_214, %lt3A : i32
        %convert_element_type3A_216 = arith.extui %lt3A_215 : i1 to i32
        %cond3A_217 = arith.constant 0 : i32
        %cond3A_218 = arith.cmpi ne, %convert_element_type3A_216, %cond3A_217 : i32
        scf.if %cond3A_218 {
          "tpu.region"() ({
            %run_scoped3A = tpu.sem_alloc : memref<!tpu.dma_semaphore, #tpu.memory_space<semaphore_mem>>
            %dma_start3A_300 = arith.constant 0 : i32
            %dma_start3A_301 = tpu.memref_slice %arg18[%dma_start3A_300] : memref<1024128xf32, #tpu.memory_space<vmem_shared>> -> memref<1024128xf32, #tpu.memory_space<vmem_shared>>
            tpu.enqueue_indirect_dma source(%arg10 : memref<16400xf32, #tpu.memory_space<vmem>>) target(%dma_start3A_301 : memref<1024128xf32, #tpu.memory_space<vmem_shared>>) offsets(%arg9 : memref<16400xi32, #tpu.memory_space<vmem>>) semaphore(%run_scoped3A : memref<!tpu.dma_semaphore, #tpu.memory_space<semaphore_mem>>) {add = true}
            %dma_wait3A_302 = arith.constant 0 : i32
            %dma_wait3A_303 = tpu.memref_slice %arg18[%dma_wait3A_302] : memref<1024128xf32, #tpu.memory_space<vmem_shared>> -> memref<1024128xf32, #tpu.memory_space<vmem_shared>>
            tpu.wait_indirect_dma semaphore(%run_scoped3A : memref<!tpu.dma_semaphore, #tpu.memory_space<semaphore_mem>>) src(%arg10 : memref<16400xf32, #tpu.memory_space<vmem>>) dst(%dma_wait3A_303 : memref<1024128xf32, #tpu.memory_space<vmem_shared>>)
            tpu.yield
          }) : () -> ()
          %parallel_loop3A_297 = arith.constant 0 : i32
          %parallel_loop3A_298 = arith.constant 1025 : i32
          %parallel_loop3A_299 = arith.constant 1 : i32
          scf.for %parallel_loop3A_300 = %parallel_loop3A_297 to %parallel_loop3A_298 step %parallel_loop3A_299  : i32 {
            %parallel_loop3A_301 = arith.constant 16 : i32
            %parallel_loop3A_302 = arith.muli %parallel_loop3A_300, %parallel_loop3A_301 : i32
            %parallel_loop3A_303 = arith.index_cast %parallel_loop3A_302 : i32 to index
            %parallel_loop3A_304 = tpu.vector_load %arg9[%parallel_loop3A_303] {strides = array<i32>} : memref<16400xi32, #tpu.memory_space<vmem>>, vector<16xi32>,
            tpu.vector_store %arg9[%parallel_loop3A_303], %add3A {strides = array<i32>} : memref<16400xi32, #tpu.memory_space<vmem>>, vector<16xi32>,
          } {sc.loop_unroll_factor = 8 : i64, sc.parallel_access}
        } else {
        }
        %add3A_219 = arith.constant 1 : i32
        %add3A_220 = arith.addi %scan3A_131, %add3A_219 : i32
        %lt3A_221 = arith.constant 64 : i32
        %lt3A_222 = arith.cmpi slt, %add3A_220, %lt3A_221 : i32
        %convert_element_type3A_223 = arith.extui %lt3A_222 : i1 to i32
        %cond3A_224 = arith.constant 0 : i32
        %cond3A_225 = arith.cmpi ne, %convert_element_type3A_223, %cond3A_224 : i32
        scf.if %cond3A_225 {
          %add3A_297 = arith.constant 2 : i32
          %add3A_298 = arith.addi %mul3A_134, %add3A_297 : i32
          %mul3A_299 = arith.constant 1048576 : i32
          %mul3A_300 = arith.muli %arg1, %mul3A_299 : i32
          %mul3A_301 = arith.constant 8192 : i32
          %mul3A_302 = arith.muli %add3A_298, %mul3A_301 : i32
          %add3A_303 = arith.addi %mul3A_300, %mul3A_302 : i32
          %dma_start3A_304 = arith.constant 0 : i32
          %dma_start3A_305 = arith.constant 0 : i32
          %dma_start3A_306 = tpu.memref_slice %arg8[%dma_start3A_304, %dma_start3A_305] : memref<2x8192xi32, #tpu.memory_space<vmem>> -> memref<1x8192xi32, #tpu.memory_space<vmem>>
          %dma_start3A_307 = tpu.memref_squeeze %dma_start3A_306 : memref<1x8192xi32, #tpu.memory_space<vmem>> -> memref<8192xi32, #tpu.memory_space<vmem>>
          %dma_start3A_308 = tpu.memref_slice %arg2[%add3A_303] : memref<16777216xi32, #tpu.memory_space<hbm>> -> memref<8192xi32, #tpu.memory_space<hbm>>
          %dma_start3A_309 = arith.constant 0 : i32
          %dma_start3A_310 = tpu.memref_slice %arg8[%dma_start3A_304, %dma_start3A_309] : memref<2x8192xi32, #tpu.memory_space<vmem>> -> memref<1x8192xi32, #tpu.memory_space<vmem>>
          %dma_start3A_311 = tpu.memref_squeeze %dma_start3A_310 : memref<1x8192xi32, #tpu.memory_space<vmem>> -> memref<8192xi32, #tpu.memory_space<vmem>>
          %dma_start3A_312 = tpu.memref_slice %arg2[%add3A_303] : memref<16777216xi32, #tpu.memory_space<hbm>> -> memref<8192xi32, #tpu.memory_space<hbm>>
          tpu.enqueue_dma source(%dma_start3A_312 : memref<8192xi32, #tpu.memory_space<hbm>>) target(%dma_start3A_311 : memref<8192xi32, #tpu.memory_space<vmem>>) target_semaphore(%arg19 : memref<!tpu.dma_semaphore, #tpu.memory_space<semaphore_mem>>)
        } else {
        }
        %mul3A_226 = arith.constant 1048576 : i32
        %mul3A_227 = arith.muli %arg1, %mul3A_226 : i32
        %add3A_228 = arith.constant 0 : i32
        %add3A_229 = arith.addi %mul3A_227, %add3A_228 : i32
        %dma_wait3A_230 = arith.constant 1 : i32
        %dma_wait3A_231 = arith.constant 0 : i32
        %dma_wait3A_232 = tpu.memref_slice %arg8[%dma_wait3A_230, %dma_wait3A_231] : memref<2x8192xi32, #tpu.memory_space<vmem>> -> memref<1x8192xi32, #tpu.memory_space<vmem>>
        %dma_wait3A_233 = tpu.memref_squeeze %dma_wait3A_232 : memref<1x8192xi32, #tpu.memory_space<vmem>> -> memref<8192xi32, #tpu.memory_space<vmem>>
        %dma_wait3A_234 = tpu.memref_slice %arg2[%add3A_229] : memref<16777216xi32, #tpu.memory_space<hbm>> -> memref<8192xi32, #tpu.memory_space<hbm>>
        %dma_wait3A_235 = arith.constant 0 : i32
        %dma_wait3A_236 = tpu.memref_slice %arg8[%dma_wait3A_230, %dma_wait3A_235] : memref<2x8192xi32, #tpu.memory_space<vmem>> -> memref<1x8192xi32, #tpu.memory_space<vmem>>
        %dma_wait3A_237 = tpu.memref_squeeze %dma_wait3A_236 : memref<1x8192xi32, #tpu.memory_space<vmem>> -> memref<8192xi32, #tpu.memory_space<vmem>>
        %dma_wait3A_238 = tpu.memref_slice %arg2[%add3A_229] : memref<16777216xi32, #tpu.memory_space<hbm>> -> memref<8192xi32, #tpu.memory_space<hbm>>
        tpu.wait_dma2 semaphore(%arg20 : memref<!tpu.dma_semaphore, #tpu.memory_space<semaphore_mem>>) src(%dma_wait3A_238 : memref<8192xi32, #tpu.memory_space<hbm>>) dst(%dma_wait3A_237 : memref<8192xi32, #tpu.memory_space<vmem>>)
        %parallel_loop3A_239 = arith.constant 0 : i32
        %parallel_loop3A_240 = arith.constant 512 : i32
        %parallel_loop3A_241 = arith.constant 1 : i32
        %parallel_loop3A_242 = scf.for %parallel_loop3A_297 = %parallel_loop3A_239 to %parallel_loop3A_240 step %parallel_loop3A_241 iter_args(%parallel_loop3A_298 = %parallel_loop3A_166) -> (vector<16xi32>)  : i32 {
          %parallel_loop3A_299 = arith.constant 16 : i32
          %parallel_loop3A_300 = arith.muli %parallel_loop3A_297, %parallel_loop3A_299 : i32
          %parallel_loop3A_301 = arith.constant 1 : i32
          %parallel_loop3A_302 = arith.index_cast %parallel_loop3A_301 : i32 to index
          %parallel_loop3A_303 = arith.index_cast %parallel_loop3A_300 : i32 to index
          %parallel_loop3A_304 = tpu.vector_load %arg8[%parallel_loop3A_302, %parallel_loop3A_303] {strides = array<i32>} : memref<2x8192xi32, #tpu.memory_space<vmem>>, vector<16xi32>,
          %parallel_loop3A_305 = vector.broadcast %mul3A_34 : i32 to vector<16xi32>
          %parallel_loop3A_306 = arith.subi %parallel_loop3A_304, %parallel_loop3A_305 : vector<16xi32>
          %parallel_loop3A_307 = arith.constant 0 : i32
          %parallel_loop3A_308 = vector.broadcast %parallel_loop3A_307 : i32 to vector<16xi32>
          %parallel_loop3A_309 = arith.cmpi sge, %parallel_loop3A_306, %parallel_loop3A_308 : vector<16xi32>
          %parallel_loop3A_310 = arith.constant 1024000 : i32
          %parallel_loop3A_311 = vector.broadcast %parallel_loop3A_310 : i32 to vector<16xi32>
          %parallel_loop3A_312 = arith.cmpi slt, %parallel_loop3A_306, %parallel_loop3A_311 : vector<16xi32>
          %parallel_loop3A_313 = arith.andi %parallel_loop3A_309, %parallel_loop3A_312 : vector<16xi1>
          %parallel_loop3A_314 = arith.constant 16368 : i32
          %parallel_loop3A_315 = vector.broadcast %parallel_loop3A_314 : i32 to vector<16xi32>
          %parallel_loop3A_316 = arith.andi %parallel_loop3A_298, %parallel_loop3A_315 : vector<16xi32>
          %parallel_loop3A_317 = arith.addi %parallel_loop3A_316, %iota3A_15 : vector<16xi32>
          %parallel_loop3A_318 = arith.constant 16384 : i32
          %parallel_loop3A_319 = vector.broadcast %parallel_loop3A_318 : i32 to vector<16xi32>
          %parallel_loop3A_320 = arith.addi %parallel_loop3A_319, %iota3A_15 : vector<16xi32>
          %parallel_loop3A_321 = arith.select %parallel_loop3A_313, %parallel_loop3A_317, %parallel_loop3A_320 : vector<16xi1>, vector<16xi32>
          %parallel_loop3A_322 = arith.select %parallel_loop3A_313, %parallel_loop3A_306, %add3A : vector<16xi1>, vector<16xi32>
          tpu.vector_store_idx %arg9[%parallel_loop3A_321], %parallel_loop3A_322 : memref<16400xi32, #tpu.memory_space<vmem>>[vector<16xi32>], vector<16xi32>,
          %parallel_loop3A_323 = arith.select %parallel_loop3A_313, %broadcast_in_dim3A_19, %broadcast_in_dim3A_17 : vector<16xi1>, vector<16xi32>
          %parallel_loop3A_324 = arith.addi %parallel_loop3A_298, %parallel_loop3A_323 : vector<16xi32>
          scf.yield %parallel_loop3A_324 : vector<16xi32>
        } {sc.loop_unroll_factor = 16 : i64, sc.parallel_access}
        %get3A_243 = arith.constant 0 : index
        %get3A_244 = tpu.vector_load %arg9[%get3A_243] {strides = array<i32>} : memref<16400xi32, #tpu.memory_space<vmem>>, vector<16xi32>,
        %slice3A_245 = vector.extract_strided_slice %get3A_244 {offsets = [0], sizes = [1], strides = [1]} : vector<16xi32> to vector<1xi32>
        %squeeze3A_246 = vector.extract %slice3A_245[0] : i32 from vector<1xi32>
        %slice3A_247 = vector.extract_strided_slice %get3A_244 {offsets = [1], sizes = [1], strides = [1]} : vector<16xi32> to vector<1xi32>
        %squeeze3A_248 = vector.extract %slice3A_247[0] : i32 from vector<1xi32>
        %min3A_249 = arith.minsi %squeeze3A_246, %squeeze3A_248 : i32
        %slice3A_250 = vector.extract_strided_slice %get3A_244 {offsets = [2], sizes = [1], strides = [1]} : vector<16xi32> to vector<1xi32>
        %squeeze3A_251 = vector.extract %slice3A_250[0] : i32 from vector<1xi32>
        %min3A_252 = arith.minsi %min3A_249, %squeeze3A_251 : i32
        %slice3A_253 = vector.extract_strided_slice %get3A_244 {offsets = [3], sizes = [1], strides = [1]} : vector<16xi32> to vector<1xi32>
        %squeeze3A_254 = vector.extract %slice3A_253[0] : i32 from vector<1xi32>
        %min3A_255 = arith.minsi %min3A_252, %squeeze3A_254 : i32
        %slice3A_256 = vector.extract_strided_slice %get3A_244 {offsets = [4], sizes = [1], strides = [1]} : vector<16xi32> to vector<1xi32>
        %squeeze3A_257 = vector.extract %slice3A_256[0] : i32 from vector<1xi32>
        %min3A_258 = arith.minsi %min3A_255, %squeeze3A_257 : i32
        %slice3A_259 = vector.extract_strided_slice %get3A_244 {offsets = [5], sizes = [1], strides = [1]} : vector<16xi32> to vector<1xi32>
        %squeeze3A_260 = vector.extract %slice3A_259[0] : i32 from vector<1xi32>
        %min3A_261 = arith.minsi %min3A_258, %squeeze3A_260 : i32
        %slice3A_262 = vector.extract_strided_slice %get3A_244 {offsets = [6], sizes = [1], strides = [1]} : vector<16xi32> to vector<1xi32>
        %squeeze3A_263 = vector.extract %slice3A_262[0] : i32 from vector<1xi32>
        %min3A_264 = arith.minsi %min3A_261, %squeeze3A_263 : i32
        %slice3A_265 = vector.extract_strided_slice %get3A_244 {offsets = [7], sizes = [1], strides = [1]} : vector<16xi32> to vector<1xi32>
        %squeeze3A_266 = vector.extract %slice3A_265[0] : i32 from vector<1xi32>
        %min3A_267 = arith.minsi %min3A_264, %squeeze3A_266 : i32
        %slice3A_268 = vector.extract_strided_slice %get3A_244 {offsets = [8], sizes = [1], strides = [1]} : vector<16xi32> to vector<1xi32>
        %squeeze3A_269 = vector.extract %slice3A_268[0] : i32 from vector<1xi32>
        %min3A_270 = arith.minsi %min3A_267, %squeeze3A_269 : i32
        %slice3A_271 = vector.extract_strided_slice %get3A_244 {offsets = [9], sizes = [1], strides = [1]} : vector<16xi32> to vector<1xi32>
        %squeeze3A_272 = vector.extract %slice3A_271[0] : i32 from vector<1xi32>
        %min3A_273 = arith.minsi %min3A_270, %squeeze3A_272 : i32
        %slice3A_274 = vector.extract_strided_slice %get3A_244 {offsets = [10], sizes = [1], strides = [1]} : vector<16xi32> to vector<1xi32>
        %squeeze3A_275 = vector.extract %slice3A_274[0] : i32 from vector<1xi32>
        %min3A_276 = arith.minsi %min3A_273, %squeeze3A_275 : i32
        %slice3A_277 = vector.extract_strided_slice %get3A_244 {offsets = [11], sizes = [1], strides = [1]} : vector<16xi32> to vector<1xi32>
        %squeeze3A_278 = vector.extract %slice3A_277[0] : i32 from vector<1xi32>
        %min3A_279 = arith.minsi %min3A_276, %squeeze3A_278 : i32
        %slice3A_280 = vector.extract_strided_slice %get3A_244 {offsets = [12], sizes = [1], strides = [1]} : vector<16xi32> to vector<1xi32>
        %squeeze3A_281 = vector.extract %slice3A_280[0] : i32 from vector<1xi32>
        %min3A_282 = arith.minsi %min3A_279, %squeeze3A_281 : i32
        %slice3A_283 = vector.extract_strided_slice %get3A_244 {offsets = [13], sizes = [1], strides = [1]} : vector<16xi32> to vector<1xi32>
        %squeeze3A_284 = vector.extract %slice3A_283[0] : i32 from vector<1xi32>
        %min3A_285 = arith.minsi %min3A_282, %squeeze3A_284 : i32
        %slice3A_286 = vector.extract_strided_slice %get3A_244 {offsets = [14], sizes = [1], strides = [1]} : vector<16xi32> to vector<1xi32>
        %squeeze3A_287 = vector.extract %slice3A_286[0] : i32 from vector<1xi32>
        %min3A_288 = arith.minsi %min3A_285, %squeeze3A_287 : i32
        %slice3A_289 = vector.extract_strided_slice %get3A_244 {offsets = [15], sizes = [1], strides = [1]} : vector<16xi32> to vector<1xi32>
        %squeeze3A_290 = vector.extract %slice3A_289[0] : i32 from vector<1xi32>
        %min3A_291 = arith.minsi %min3A_288, %squeeze3A_290 : i32
        %lt3A_292 = arith.constant 1024000 : i32
        %lt3A_293 = arith.cmpi slt, %min3A_291, %lt3A_292 : i32
        %convert_element_type3A_294 = arith.extui %lt3A_293 : i1 to i32
        %cond3A_295 = arith.constant 0 : i32
        %cond3A_296 = arith.cmpi ne, %convert_element_type3A_294, %cond3A_295 : i32
        scf.if %cond3A_296 {
          "tpu.region"() ({
            %run_scoped3A = tpu.sem_alloc : memref<!tpu.dma_semaphore, #tpu.memory_space<semaphore_mem>>
            %dma_start3A_300 = arith.constant 0 : i32
            %dma_start3A_301 = tpu.memref_slice %arg18[%dma_start3A_300] : memref<1024128xf32, #tpu.memory_space<vmem_shared>> -> memref<1024128xf32, #tpu.memory_space<vmem_shared>>
            tpu.enqueue_indirect_dma source(%arg10 : memref<16400xf32, #tpu.memory_space<vmem>>) target(%dma_start3A_301 : memref<1024128xf32, #tpu.memory_space<vmem_shared>>) offsets(%arg9 : memref<16400xi32, #tpu.memory_space<vmem>>) semaphore(%run_scoped3A : memref<!tpu.dma_semaphore, #tpu.memory_space<semaphore_mem>>) {add = true}
            %dma_wait3A_302 = arith.constant 0 : i32
            %dma_wait3A_303 = tpu.memref_slice %arg18[%dma_wait3A_302] : memref<1024128xf32, #tpu.memory_space<vmem_shared>> -> memref<1024128xf32, #tpu.memory_space<vmem_shared>>
            tpu.wait_indirect_dma semaphore(%run_scoped3A : memref<!tpu.dma_semaphore, #tpu.memory_space<semaphore_mem>>) src(%arg10 : memref<16400xf32, #tpu.memory_space<vmem>>) dst(%dma_wait3A_303 : memref<1024128xf32, #tpu.memory_space<vmem_shared>>)
            tpu.yield
          }) : () -> ()
          %parallel_loop3A_297 = arith.constant 0 : i32
          %parallel_loop3A_298 = arith.constant 1025 : i32
          %parallel_loop3A_299 = arith.constant 1 : i32
          scf.for %parallel_loop3A_300 = %parallel_loop3A_297 to %parallel_loop3A_298 step %parallel_loop3A_299  : i32 {
            %parallel_loop3A_301 = arith.constant 16 : i32
            %parallel_loop3A_302 = arith.muli %parallel_loop3A_300, %parallel_loop3A_301 : i32
            %parallel_loop3A_303 = arith.index_cast %parallel_loop3A_302 : i32 to index
            %parallel_loop3A_304 = tpu.vector_load %arg9[%parallel_loop3A_303] {strides = array<i32>} : memref<16400xi32, #tpu.memory_space<vmem>>, vector<16xi32>,
            tpu.vector_store %arg9[%parallel_loop3A_303], %add3A {strides = array<i32>} : memref<16400xi32, #tpu.memory_space<vmem>>, vector<16xi32>,
          } {sc.loop_unroll_factor = 8 : i64, sc.parallel_access}
        } else {
        }
        scf.yield %parallel_loop3A_242 : vector<16xi32>
      }
      %scan3A_52 = arith.constant 64 : i32
      "tpu.region"() ({
        %run_scoped3A = tpu.sem_alloc : memref<!tpu.dma_semaphore, #tpu.memory_space<semaphore_mem>>
        %dma_start3A_131 = arith.constant 0 : i32
        %dma_start3A_132 = tpu.memref_slice %arg18[%dma_start3A_131] : memref<1024128xf32, #tpu.memory_space<vmem_shared>> -> memref<1024128xf32, #tpu.memory_space<vmem_shared>>
        tpu.enqueue_indirect_dma source(%arg10 : memref<16400xf32, #tpu.memory_space<vmem>>) target(%dma_start3A_132 : memref<1024128xf32, #tpu.memory_space<vmem_shared>>) offsets(%arg9 : memref<16400xi32, #tpu.memory_space<vmem>>) semaphore(%run_scoped3A : memref<!tpu.dma_semaphore, #tpu.memory_space<semaphore_mem>>) {add = true}
        %dma_wait3A = arith.constant 0 : i32
        %dma_wait3A_133 = tpu.memref_slice %arg18[%dma_wait3A] : memref<1024128xf32, #tpu.memory_space<vmem_shared>> -> memref<1024128xf32, #tpu.memory_space<vmem_shared>>
        tpu.wait_indirect_dma semaphore(%run_scoped3A : memref<!tpu.dma_semaphore, #tpu.memory_space<semaphore_mem>>) src(%arg10 : memref<16400xf32, #tpu.memory_space<vmem>>) dst(%dma_wait3A_133 : memref<1024128xf32, #tpu.memory_space<vmem_shared>>)
        tpu.yield
      }) : () -> ()
      %parallel_loop3A_53 = arith.constant 0 : i32
      %parallel_loop3A_54 = arith.constant 1025 : i32
      %parallel_loop3A_55 = arith.constant 1 : i32
      scf.for %parallel_loop3A_131 = %parallel_loop3A_53 to %parallel_loop3A_54 step %parallel_loop3A_55  : i32 {
        %parallel_loop3A_132 = arith.constant 16 : i32
        %parallel_loop3A_133 = arith.muli %parallel_loop3A_131, %parallel_loop3A_132 : i32
        %parallel_loop3A_134 = arith.index_cast %parallel_loop3A_133 : i32 to index
        %parallel_loop3A_135 = tpu.vector_load %arg9[%parallel_loop3A_134] {strides = array<i32>} : memref<16400xi32, #tpu.memory_space<vmem>>, vector<16xi32>,
        tpu.vector_store %arg9[%parallel_loop3A_134], %add3A {strides = array<i32>} : memref<16400xi32, #tpu.memory_space<vmem>>, vector<16xi32>,
      } {sc.loop_unroll_factor = 8 : i64, sc.parallel_access}
      %barrier3A_56 = arith.constant 0 : index
      tpu.barrier barrier_id(%barrier3A_56)
      %get3A = arith.constant 0 : index
      %get3A_57 = tpu.vector_load %arg14[%get3A] {strides = array<i32>} : memref<16xf32, #tpu.memory_space<vmem>>, vector<16xf32>,
      %get3A_58 = arith.constant 0 : index
      %get3A_59 = tpu.vector_load %arg15[%get3A_58] {strides = array<i32>} : memref<16xf32, #tpu.memory_space<vmem>>, vector<16xf32>,
      %get3A_60 = arith.constant 0 : index
      %get3A_61 = tpu.vector_load %arg16[%get3A_60] {strides = array<i32>} : memref<16xf32, #tpu.memory_space<vmem>>, vector<16xf32>,
      %get3A_62 = arith.constant 0 : index
      %get3A_63 = tpu.vector_load %arg17[%get3A_62] {strides = array<i32>} : memref<16xf32, #tpu.memory_space<vmem>>, vector<16xf32>,
      %slice3A = vector.extract_strided_slice %get3A_57 {offsets = [0], sizes = [1], strides = [1]} : vector<16xf32> to vector<1xf32>
      %squeeze3A = vector.extract %slice3A[0] : f32 from vector<1xf32>
      %slice3A_64 = vector.extract_strided_slice %get3A_57 {offsets = [1], sizes = [1], strides = [1]} : vector<16xf32> to vector<1xf32>
      %squeeze3A_65 = vector.extract %slice3A_64[0] : f32 from vector<1xf32>
      %slice3A_66 = vector.extract_strided_slice %get3A_57 {offsets = [2], sizes = [1], strides = [1]} : vector<16xf32> to vector<1xf32>
      %squeeze3A_67 = vector.extract %slice3A_66[0] : f32 from vector<1xf32>
      %slice3A_68 = vector.extract_strided_slice %get3A_57 {offsets = [3], sizes = [1], strides = [1]} : vector<16xf32> to vector<1xf32>
      %squeeze3A_69 = vector.extract %slice3A_68[0] : f32 from vector<1xf32>
      %slice3A_70 = vector.extract_strided_slice %get3A_57 {offsets = [4], sizes = [1], strides = [1]} : vector<16xf32> to vector<1xf32>
      %squeeze3A_71 = vector.extract %slice3A_70[0] : f32 from vector<1xf32>
      %slice3A_72 = vector.extract_strided_slice %get3A_57 {offsets = [5], sizes = [1], strides = [1]} : vector<16xf32> to vector<1xf32>
      %squeeze3A_73 = vector.extract %slice3A_72[0] : f32 from vector<1xf32>
      %slice3A_74 = vector.extract_strided_slice %get3A_57 {offsets = [6], sizes = [1], strides = [1]} : vector<16xf32> to vector<1xf32>
      %squeeze3A_75 = vector.extract %slice3A_74[0] : f32 from vector<1xf32>
      %slice3A_76 = vector.extract_strided_slice %get3A_57 {offsets = [7], sizes = [1], strides = [1]} : vector<16xf32> to vector<1xf32>
      %squeeze3A_77 = vector.extract %slice3A_76[0] : f32 from vector<1xf32>
      %slice3A_78 = vector.extract_strided_slice %get3A_57 {offsets = [8], sizes = [1], strides = [1]} : vector<16xf32> to vector<1xf32>
      %squeeze3A_79 = vector.extract %slice3A_78[0] : f32 from vector<1xf32>
      %slice3A_80 = vector.extract_strided_slice %get3A_57 {offsets = [9], sizes = [1], strides = [1]} : vector<16xf32> to vector<1xf32>
      %squeeze3A_81 = vector.extract %slice3A_80[0] : f32 from vector<1xf32>
      %slice3A_82 = vector.extract_strided_slice %get3A_59 {offsets = [0], sizes = [1], strides = [1]} : vector<16xf32> to vector<1xf32>
      %squeeze3A_83 = vector.extract %slice3A_82[0] : f32 from vector<1xf32>
      %slice3A_84 = vector.extract_strided_slice %get3A_59 {offsets = [1], sizes = [1], strides = [1]} : vector<16xf32> to vector<1xf32>
      %squeeze3A_85 = vector.extract %slice3A_84[0] : f32 from vector<1xf32>
      %slice3A_86 = vector.extract_strided_slice %get3A_59 {offsets = [2], sizes = [1], strides = [1]} : vector<16xf32> to vector<1xf32>
      %squeeze3A_87 = vector.extract %slice3A_86[0] : f32 from vector<1xf32>
      %slice3A_88 = vector.extract_strided_slice %get3A_59 {offsets = [3], sizes = [1], strides = [1]} : vector<16xf32> to vector<1xf32>
      %squeeze3A_89 = vector.extract %slice3A_88[0] : f32 from vector<1xf32>
      %slice3A_90 = vector.extract_strided_slice %get3A_59 {offsets = [4], sizes = [1], strides = [1]} : vector<16xf32> to vector<1xf32>
      %squeeze3A_91 = vector.extract %slice3A_90[0] : f32 from vector<1xf32>
      %slice3A_92 = vector.extract_strided_slice %get3A_59 {offsets = [5], sizes = [1], strides = [1]} : vector<16xf32> to vector<1xf32>
      %squeeze3A_93 = vector.extract %slice3A_92[0] : f32 from vector<1xf32>
      %slice3A_94 = vector.extract_strided_slice %get3A_59 {offsets = [6], sizes = [1], strides = [1]} : vector<16xf32> to vector<1xf32>
      %squeeze3A_95 = vector.extract %slice3A_94[0] : f32 from vector<1xf32>
      %slice3A_96 = vector.extract_strided_slice %get3A_59 {offsets = [7], sizes = [1], strides = [1]} : vector<16xf32> to vector<1xf32>
      %squeeze3A_97 = vector.extract %slice3A_96[0] : f32 from vector<1xf32>
      %slice3A_98 = vector.extract_strided_slice %get3A_59 {offsets = [8], sizes = [1], strides = [1]} : vector<16xf32> to vector<1xf32>
      %squeeze3A_99 = vector.extract %slice3A_98[0] : f32 from vector<1xf32>
      %slice3A_100 = vector.extract_strided_slice %get3A_59 {offsets = [9], sizes = [1], strides = [1]} : vector<16xf32> to vector<1xf32>
      %squeeze3A_101 = vector.extract %slice3A_100[0] : f32 from vector<1xf32>
      %slice3A_102 = vector.extract_strided_slice %get3A_61 {offsets = [0], sizes = [1], strides = [1]} : vector<16xf32> to vector<1xf32>
      %squeeze3A_103 = vector.extract %slice3A_102[0] : f32 from vector<1xf32>
      %slice3A_104 = vector.extract_strided_slice %get3A_61 {offsets = [1], sizes = [1], strides = [1]} : vector<16xf32> to vector<1xf32>
      %squeeze3A_105 = vector.extract %slice3A_104[0] : f32 from vector<1xf32>
      %slice3A_106 = vector.extract_strided_slice %get3A_61 {offsets = [2], sizes = [1], strides = [1]} : vector<16xf32> to vector<1xf32>
      %squeeze3A_107 = vector.extract %slice3A_106[0] : f32 from vector<1xf32>
      %slice3A_108 = vector.extract_strided_slice %get3A_61 {offsets = [3], sizes = [1], strides = [1]} : vector<16xf32> to vector<1xf32>
      %squeeze3A_109 = vector.extract %slice3A_108[0] : f32 from vector<1xf32>
      %slice3A_110 = vector.extract_strided_slice %get3A_61 {offsets = [4], sizes = [1], strides = [1]} : vector<16xf32> to vector<1xf32>
      %squeeze3A_111 = vector.extract %slice3A_110[0] : f32 from vector<1xf32>
      %slice3A_112 = vector.extract_strided_slice %get3A_61 {offsets = [5], sizes = [1], strides = [1]} : vector<16xf32> to vector<1xf32>
      %squeeze3A_113 = vector.extract %slice3A_112[0] : f32 from vector<1xf32>
      %slice3A_114 = vector.extract_strided_slice %get3A_61 {offsets = [6], sizes = [1], strides = [1]} : vector<16xf32> to vector<1xf32>
      %squeeze3A_115 = vector.extract %slice3A_114[0] : f32 from vector<1xf32>
      %slice3A_116 = vector.extract_strided_slice %get3A_61 {offsets = [7], sizes = [1], strides = [1]} : vector<16xf32> to vector<1xf32>
      %squeeze3A_117 = vector.extract %slice3A_116[0] : f32 from vector<1xf32>
      %slice3A_118 = vector.extract_strided_slice %get3A_61 {offsets = [8], sizes = [1], strides = [1]} : vector<16xf32> to vector<1xf32>
      %squeeze3A_119 = vector.extract %slice3A_118[0] : f32 from vector<1xf32>
      %slice3A_120 = vector.extract_strided_slice %get3A_61 {offsets = [9], sizes = [1], strides = [1]} : vector<16xf32> to vector<1xf32>
      %squeeze3A_121 = vector.extract %slice3A_120[0] : f32 from vector<1xf32>
      %slice3A_122 = vector.extract_strided_slice %get3A_63 {offsets = [0], sizes = [1], strides = [1]} : vector<16xf32> to vector<1xf32>
      %squeeze3A_123 = vector.extract %slice3A_122[0] : f32 from vector<1xf32>
      %scan3A_124 = arith.constant 0 : i32
      %scan3A_125 = arith.constant 0 : i32
      %scan3A_126 = arith.constant 16 : i32
      %scan3A_127 = arith.addi %scan3A_125, %scan3A_126 : i32
      %scan3A_128 = arith.constant 1 : i32
      scf.for %scan3A_131 = %scan3A_125 to %scan3A_127 step %scan3A_128  : i32 {
        %mul3A_132 = arith.constant 64000 : i32
        %mul3A_133 = arith.muli %arg1, %mul3A_132 : i32
        %mul3A_134 = arith.constant 4000 : i32
        %mul3A_135 = arith.muli %scan3A_131, %mul3A_134 : i32
        %add3A_136 = arith.addi %mul3A_133, %mul3A_135 : i32
        "tpu.region"() ({
          %run_scoped3A = tpu.sem_alloc : memref<!tpu.dma_semaphore, #tpu.memory_space<semaphore_mem>>
          %dma_start3A_141 = tpu.memref_slice %arg18[%add3A_136] : memref<1024128xf32, #tpu.memory_space<vmem_shared>> -> memref<4000xf32, #tpu.memory_space<vmem_shared>>
          %dma_start3A_142 = tpu.memref_slice %arg18[%add3A_136] : memref<1024128xf32, #tpu.memory_space<vmem_shared>> -> memref<4000xf32, #tpu.memory_space<vmem_shared>>
          tpu.enqueue_dma source(%dma_start3A_142 : memref<4000xf32, #tpu.memory_space<vmem_shared>>) target(%arg11 : memref<4000xf32, #tpu.memory_space<vmem>>) target_semaphore(%run_scoped3A : memref<!tpu.dma_semaphore, #tpu.memory_space<semaphore_mem>>)
          %dma_wait3A = tpu.memref_slice %arg18[%add3A_136] : memref<1024128xf32, #tpu.memory_space<vmem_shared>> -> memref<4000xf32, #tpu.memory_space<vmem_shared>>
          %dma_wait3A_143 = tpu.memref_slice %arg18[%add3A_136] : memref<1024128xf32, #tpu.memory_space<vmem_shared>> -> memref<4000xf32, #tpu.memory_space<vmem_shared>>
          tpu.wait_dma2 semaphore(%run_scoped3A : memref<!tpu.dma_semaphore, #tpu.memory_space<semaphore_mem>>) src(%dma_wait3A_143 : memref<4000xf32, #tpu.memory_space<vmem_shared>>) dst(%arg11 : memref<4000xf32, #tpu.memory_space<vmem>>)
          tpu.yield
        }) : () -> ()
        "tpu.region"() ({
          %run_scoped3A = tpu.sem_alloc : memref<!tpu.dma_semaphore, #tpu.memory_space<semaphore_mem>>
          %dma_start3A_141 = tpu.memref_slice %arg18[%add3A_136] : memref<1024128xf32, #tpu.memory_space<vmem_shared>> -> memref<4000xf32, #tpu.memory_space<vmem_shared>>
          %dma_start3A_142 = tpu.memref_slice %arg18[%add3A_136] : memref<1024128xf32, #tpu.memory_space<vmem_shared>> -> memref<4000xf32, #tpu.memory_space<vmem_shared>>
          tpu.enqueue_dma source(%arg13 : memref<4000xf32, #tpu.memory_space<vmem>>) target(%dma_start3A_142 : memref<4000xf32, #tpu.memory_space<vmem_shared>>) target_semaphore(%run_scoped3A : memref<!tpu.dma_semaphore, #tpu.memory_space<semaphore_mem>>)
          %dma_wait3A = tpu.memref_slice %arg18[%add3A_136] : memref<1024128xf32, #tpu.memory_space<vmem_shared>> -> memref<4000xf32, #tpu.memory_space<vmem_shared>>
          %dma_wait3A_143 = tpu.memref_slice %arg18[%add3A_136] : memref<1024128xf32, #tpu.memory_space<vmem_shared>> -> memref<4000xf32, #tpu.memory_space<vmem_shared>>
          tpu.wait_dma2 semaphore(%run_scoped3A : memref<!tpu.dma_semaphore, #tpu.memory_space<semaphore_mem>>) src(%arg13 : memref<4000xf32, #tpu.memory_space<vmem>>) dst(%dma_wait3A_143 : memref<4000xf32, #tpu.memory_space<vmem_shared>>)
          tpu.yield
        }) : () -> ()
        %parallel_loop3A_137 = arith.constant 0 : i32
        %parallel_loop3A_138 = arith.constant 250 : i32
        %parallel_loop3A_139 = arith.constant 1 : i32
        scf.for %parallel_loop3A_141 = %parallel_loop3A_137 to %parallel_loop3A_138 step %parallel_loop3A_139  : i32 {
          %parallel_loop3A_142 = arith.constant 16 : i32
          %parallel_loop3A_143 = arith.muli %parallel_loop3A_141, %parallel_loop3A_142 : i32
          %parallel_loop3A_144 = arith.index_cast %parallel_loop3A_143 : i32 to index
          %parallel_loop3A_145 = tpu.vector_load %arg11[%parallel_loop3A_144] {strides = array<i32>} : memref<4000xf32, #tpu.memory_space<vmem>>, vector<16xf32>,
          %parallel_loop3A_146 = arith.constant 0.000000e+00 : f32
          %parallel_loop3A_147 = vector.broadcast %parallel_loop3A_146 : f32 to vector<16xf32>
          %parallel_loop3A_148 = vector.broadcast %squeeze3A_123 : f32 to vector<16xf32>
          %parallel_loop3A_149 = arith.addf %parallel_loop3A_147, %parallel_loop3A_148 : vector<16xf32>
          %parallel_loop3A_150 = vector.broadcast %squeeze3A : f32 to vector<16xf32>
          %parallel_loop3A_151 = arith.mulf %parallel_loop3A_145, %parallel_loop3A_150 : vector<16xf32>
          %parallel_loop3A_152 = vector.broadcast %squeeze3A_83 : f32 to vector<16xf32>
          %parallel_loop3A_153 = arith.addf %parallel_loop3A_151, %parallel_loop3A_152 : vector<16xf32>
          %parallel_loop3A_154 = arith.constant 0.000000e+00 : f32
          %parallel_loop3A_155 = vector.broadcast %parallel_loop3A_154 : f32 to vector<16xf32>
          %parallel_loop3A_156 = arith.maximumf %parallel_loop3A_153, %parallel_loop3A_155 : vector<16xf32>
          %parallel_loop3A_157 = vector.broadcast %squeeze3A_103 : f32 to vector<16xf32>
          %parallel_loop3A_158 = arith.mulf %parallel_loop3A_156, %parallel_loop3A_157 : vector<16xf32>
          %parallel_loop3A_159 = arith.addf %parallel_loop3A_149, %parallel_loop3A_158 : vector<16xf32>
          %parallel_loop3A_160 = vector.broadcast %squeeze3A_65 : f32 to vector<16xf32>
          %parallel_loop3A_161 = arith.mulf %parallel_loop3A_145, %parallel_loop3A_160 : vector<16xf32>
          %parallel_loop3A_162 = vector.broadcast %squeeze3A_85 : f32 to vector<16xf32>
          %parallel_loop3A_163 = arith.addf %parallel_loop3A_161, %parallel_loop3A_162 : vector<16xf32>
          %parallel_loop3A_164 = arith.constant 0.000000e+00 : f32
          %parallel_loop3A_165 = vector.broadcast %parallel_loop3A_164 : f32 to vector<16xf32>
          %parallel_loop3A_166 = arith.maximumf %parallel_loop3A_163, %parallel_loop3A_165 : vector<16xf32>
          %parallel_loop3A_167 = vector.broadcast %squeeze3A_105 : f32 to vector<16xf32>
          %parallel_loop3A_168 = arith.mulf %parallel_loop3A_166, %parallel_loop3A_167 : vector<16xf32>
          %parallel_loop3A_169 = arith.addf %parallel_loop3A_159, %parallel_loop3A_168 : vector<16xf32>
          %parallel_loop3A_170 = vector.broadcast %squeeze3A_67 : f32 to vector<16xf32>
          %parallel_loop3A_171 = arith.mulf %parallel_loop3A_145, %parallel_loop3A_170 : vector<16xf32>
          %parallel_loop3A_172 = vector.broadcast %squeeze3A_87 : f32 to vector<16xf32>
          %parallel_loop3A_173 = arith.addf %parallel_loop3A_171, %parallel_loop3A_172 : vector<16xf32>
          %parallel_loop3A_174 = arith.constant 0.000000e+00 : f32
          %parallel_loop3A_175 = vector.broadcast %parallel_loop3A_174 : f32 to vector<16xf32>
          %parallel_loop3A_176 = arith.maximumf %parallel_loop3A_173, %parallel_loop3A_175 : vector<16xf32>
          %parallel_loop3A_177 = vector.broadcast %squeeze3A_107 : f32 to vector<16xf32>
          %parallel_loop3A_178 = arith.mulf %parallel_loop3A_176, %parallel_loop3A_177 : vector<16xf32>
          %parallel_loop3A_179 = arith.addf %parallel_loop3A_169, %parallel_loop3A_178 : vector<16xf32>
          %parallel_loop3A_180 = vector.broadcast %squeeze3A_69 : f32 to vector<16xf32>
          %parallel_loop3A_181 = arith.mulf %parallel_loop3A_145, %parallel_loop3A_180 : vector<16xf32>
          %parallel_loop3A_182 = vector.broadcast %squeeze3A_89 : f32 to vector<16xf32>
          %parallel_loop3A_183 = arith.addf %parallel_loop3A_181, %parallel_loop3A_182 : vector<16xf32>
          %parallel_loop3A_184 = arith.constant 0.000000e+00 : f32
          %parallel_loop3A_185 = vector.broadcast %parallel_loop3A_184 : f32 to vector<16xf32>
          %parallel_loop3A_186 = arith.maximumf %parallel_loop3A_183, %parallel_loop3A_185 : vector<16xf32>
          %parallel_loop3A_187 = vector.broadcast %squeeze3A_109 : f32 to vector<16xf32>
          %parallel_loop3A_188 = arith.mulf %parallel_loop3A_186, %parallel_loop3A_187 : vector<16xf32>
          %parallel_loop3A_189 = arith.addf %parallel_loop3A_179, %parallel_loop3A_188 : vector<16xf32>
          %parallel_loop3A_190 = vector.broadcast %squeeze3A_71 : f32 to vector<16xf32>
          %parallel_loop3A_191 = arith.mulf %parallel_loop3A_145, %parallel_loop3A_190 : vector<16xf32>
          %parallel_loop3A_192 = vector.broadcast %squeeze3A_91 : f32 to vector<16xf32>
          %parallel_loop3A_193 = arith.addf %parallel_loop3A_191, %parallel_loop3A_192 : vector<16xf32>
          %parallel_loop3A_194 = arith.constant 0.000000e+00 : f32
          %parallel_loop3A_195 = vector.broadcast %parallel_loop3A_194 : f32 to vector<16xf32>
          %parallel_loop3A_196 = arith.maximumf %parallel_loop3A_193, %parallel_loop3A_195 : vector<16xf32>
          %parallel_loop3A_197 = vector.broadcast %squeeze3A_111 : f32 to vector<16xf32>
          %parallel_loop3A_198 = arith.mulf %parallel_loop3A_196, %parallel_loop3A_197 : vector<16xf32>
          %parallel_loop3A_199 = arith.addf %parallel_loop3A_189, %parallel_loop3A_198 : vector<16xf32>
          %parallel_loop3A_200 = vector.broadcast %squeeze3A_73 : f32 to vector<16xf32>
          %parallel_loop3A_201 = arith.mulf %parallel_loop3A_145, %parallel_loop3A_200 : vector<16xf32>
          %parallel_loop3A_202 = vector.broadcast %squeeze3A_93 : f32 to vector<16xf32>
          %parallel_loop3A_203 = arith.addf %parallel_loop3A_201, %parallel_loop3A_202 : vector<16xf32>
          %parallel_loop3A_204 = arith.constant 0.000000e+00 : f32
          %parallel_loop3A_205 = vector.broadcast %parallel_loop3A_204 : f32 to vector<16xf32>
          %parallel_loop3A_206 = arith.maximumf %parallel_loop3A_203, %parallel_loop3A_205 : vector<16xf32>
          %parallel_loop3A_207 = vector.broadcast %squeeze3A_113 : f32 to vector<16xf32>
          %parallel_loop3A_208 = arith.mulf %parallel_loop3A_206, %parallel_loop3A_207 : vector<16xf32>
          %parallel_loop3A_209 = arith.addf %parallel_loop3A_199, %parallel_loop3A_208 : vector<16xf32>
          %parallel_loop3A_210 = vector.broadcast %squeeze3A_75 : f32 to vector<16xf32>
          %parallel_loop3A_211 = arith.mulf %parallel_loop3A_145, %parallel_loop3A_210 : vector<16xf32>
          %parallel_loop3A_212 = vector.broadcast %squeeze3A_95 : f32 to vector<16xf32>
          %parallel_loop3A_213 = arith.addf %parallel_loop3A_211, %parallel_loop3A_212 : vector<16xf32>
          %parallel_loop3A_214 = arith.constant 0.000000e+00 : f32
          %parallel_loop3A_215 = vector.broadcast %parallel_loop3A_214 : f32 to vector<16xf32>
          %parallel_loop3A_216 = arith.maximumf %parallel_loop3A_213, %parallel_loop3A_215 : vector<16xf32>
          %parallel_loop3A_217 = vector.broadcast %squeeze3A_115 : f32 to vector<16xf32>
          %parallel_loop3A_218 = arith.mulf %parallel_loop3A_216, %parallel_loop3A_217 : vector<16xf32>
          %parallel_loop3A_219 = arith.addf %parallel_loop3A_209, %parallel_loop3A_218 : vector<16xf32>
          %parallel_loop3A_220 = vector.broadcast %squeeze3A_77 : f32 to vector<16xf32>
          %parallel_loop3A_221 = arith.mulf %parallel_loop3A_145, %parallel_loop3A_220 : vector<16xf32>
          %parallel_loop3A_222 = vector.broadcast %squeeze3A_97 : f32 to vector<16xf32>
          %parallel_loop3A_223 = arith.addf %parallel_loop3A_221, %parallel_loop3A_222 : vector<16xf32>
          %parallel_loop3A_224 = arith.constant 0.000000e+00 : f32
          %parallel_loop3A_225 = vector.broadcast %parallel_loop3A_224 : f32 to vector<16xf32>
          %parallel_loop3A_226 = arith.maximumf %parallel_loop3A_223, %parallel_loop3A_225 : vector<16xf32>
          %parallel_loop3A_227 = vector.broadcast %squeeze3A_117 : f32 to vector<16xf32>
          %parallel_loop3A_228 = arith.mulf %parallel_loop3A_226, %parallel_loop3A_227 : vector<16xf32>
          %parallel_loop3A_229 = arith.addf %parallel_loop3A_219, %parallel_loop3A_228 : vector<16xf32>
          %parallel_loop3A_230 = vector.broadcast %squeeze3A_79 : f32 to vector<16xf32>
          %parallel_loop3A_231 = arith.mulf %parallel_loop3A_145, %parallel_loop3A_230 : vector<16xf32>
          %parallel_loop3A_232 = vector.broadcast %squeeze3A_99 : f32 to vector<16xf32>
          %parallel_loop3A_233 = arith.addf %parallel_loop3A_231, %parallel_loop3A_232 : vector<16xf32>
          %parallel_loop3A_234 = arith.constant 0.000000e+00 : f32
          %parallel_loop3A_235 = vector.broadcast %parallel_loop3A_234 : f32 to vector<16xf32>
          %parallel_loop3A_236 = arith.maximumf %parallel_loop3A_233, %parallel_loop3A_235 : vector<16xf32>
          %parallel_loop3A_237 = vector.broadcast %squeeze3A_119 : f32 to vector<16xf32>
          %parallel_loop3A_238 = arith.mulf %parallel_loop3A_236, %parallel_loop3A_237 : vector<16xf32>
          %parallel_loop3A_239 = arith.addf %parallel_loop3A_229, %parallel_loop3A_238 : vector<16xf32>
          %parallel_loop3A_240 = vector.broadcast %squeeze3A_81 : f32 to vector<16xf32>
          %parallel_loop3A_241 = arith.mulf %parallel_loop3A_145, %parallel_loop3A_240 : vector<16xf32>
          %parallel_loop3A_242 = vector.broadcast %squeeze3A_101 : f32 to vector<16xf32>
          %parallel_loop3A_243 = arith.addf %parallel_loop3A_241, %parallel_loop3A_242 : vector<16xf32>
          %parallel_loop3A_244 = arith.constant 0.000000e+00 : f32
          %parallel_loop3A_245 = vector.broadcast %parallel_loop3A_244 : f32 to vector<16xf32>
          %parallel_loop3A_246 = arith.maximumf %parallel_loop3A_243, %parallel_loop3A_245 : vector<16xf32>
          %parallel_loop3A_247 = vector.broadcast %squeeze3A_121 : f32 to vector<16xf32>
          %parallel_loop3A_248 = arith.mulf %parallel_loop3A_246, %parallel_loop3A_247 : vector<16xf32>
          %parallel_loop3A_249 = arith.addf %parallel_loop3A_239, %parallel_loop3A_248 : vector<16xf32>
          %parallel_loop3A_250 = arith.constant 16 : i32
          %parallel_loop3A_251 = arith.muli %parallel_loop3A_141, %parallel_loop3A_250 : i32
          %parallel_loop3A_252 = arith.index_cast %parallel_loop3A_251 : i32 to index
          %parallel_loop3A_253 = tpu.vector_load %arg12[%parallel_loop3A_252] {strides = array<i32>} : memref<4000xf32, #tpu.memory_space<vmem>>, vector<16xf32>,
          tpu.vector_store %arg12[%parallel_loop3A_252], %parallel_loop3A_249 {strides = array<i32>} : memref<4000xf32, #tpu.memory_space<vmem>>, vector<16xf32>,
        } {sc.loop_unroll_factor = 4 : i64, sc.parallel_access}
        %add3A_140 = arith.addi %mul3A_34, %add3A_136 : i32
        "tpu.region"() ({
          %run_scoped3A = tpu.sem_alloc : memref<!tpu.dma_semaphore, #tpu.memory_space<semaphore_mem>>
          %dma_start3A_141 = tpu.memref_slice %arg7[%add3A_140] : memref<20480000xf32, #tpu.memory_space<hbm>> -> memref<4000xf32, #tpu.memory_space<hbm>>
          %dma_start3A_142 = tpu.memref_slice %arg7[%add3A_140] : memref<20480000xf32, #tpu.memory_space<hbm>> -> memref<4000xf32, #tpu.memory_space<hbm>>
          tpu.enqueue_dma source(%arg12 : memref<4000xf32, #tpu.memory_space<vmem>>) target(%dma_start3A_142 : memref<4000xf32, #tpu.memory_space<hbm>>) target_semaphore(%run_scoped3A : memref<!tpu.dma_semaphore, #tpu.memory_space<semaphore_mem>>)
          %dma_wait3A = tpu.memref_slice %arg7[%add3A_140] : memref<20480000xf32, #tpu.memory_space<hbm>> -> memref<4000xf32, #tpu.memory_space<hbm>>
          %dma_wait3A_143 = tpu.memref_slice %arg7[%add3A_140] : memref<20480000xf32, #tpu.memory_space<hbm>> -> memref<4000xf32, #tpu.memory_space<hbm>>
          tpu.wait_dma2 semaphore(%run_scoped3A : memref<!tpu.dma_semaphore, #tpu.memory_space<semaphore_mem>>) src(%arg12 : memref<4000xf32, #tpu.memory_space<vmem>>) dst(%dma_wait3A_143 : memref<4000xf32, #tpu.memory_space<hbm>>)
          tpu.yield
        }) : () -> ()
      }
      %scan3A_129 = arith.constant 16 : i32
      %barrier3A_130 = arith.constant 0 : index
      tpu.barrier barrier_id(%barrier3A_130)
    }
    %scan3A_28 = arith.constant 10 : i32
    return
  }
}

</mosaic_0001>

<sc_bundles>
// kernel: _pooler.3.cloned.1.call-start
scs
__scs_entry_jumppad:
0x0: {  	(pc) =	sbr.rel $0x88, $3  }
0x1: {  	(tag) =	ssettag $0x0;
	lr =	simm.s32 $0x1  }
0x2: {  	[smem:$0x3F9C] =	sst lr;
	_ =	strace $0xD0000000  }
0x3: {  	_ = 	snop  }
0x4: {  	_ = 	snop  }
0x5: {  	_ = 	snop  }
0x6: {  	_ = 	snop  }
0x7: {  	_ = 	snop  }
__scs_overlays_trampoline_lowered:
0x8: {  	[smem:$0x3FAB] =	sst s0  }
0x9: {  	[smem:$0x3FAC] =	sst s1  }
0xa: {  	[smem:$0x3FAD] =	sst s2  }
0xb: {  	[smem:$0x3FAE] =	sst s3  }
0xc: {  	[smem:$0x3FAF] =	sst s4  }
0xd: {  	[smem:$0x3FB0] =	sst s5  }
0xe: {  	[smem:$0x3FB1] =	sst s6  }
0xf: {  	[smem:$0x3FB2] =	sst s7  }
0x10: {  	[smem:$0x3FB3] =	sst s8  }
0x11: {  	[smem:$0x3FB4] =	sst s9;
	s0 =	simm.s32 @!p0 $0x0  }
0x12: {  	s1 =	sld [smem:$0x3F9A];
	s0 =	simm.s32 @p0 $0x1  }
0x13: {  	[smem:$0x3FB5] =	sst s0;
	s0 =	simm.s32 @!p1 $0x0  }
0x14: {  	s2 =	sld [smem:$0x3F99];
	s0 =	simm.s32 @p1 $0x1  }
0x15: {  	[smem:$0x3FB6] =	sst s0;
	s0 =	simm.s32 @!p2 $0x0  }
0x16: {  	s3 =	sld [smem:$0x3FDB];
	s0 =	simm.s32 @p2 $0x1  }
0x17: {  	s4 =	simm.s32 $0x1BF5;
	[smem:$0x3FB8] =	sst s0  }
0x18: {  	s0 =	sld [smem:$0x3F9B];
	_ =	swait.ge [sflag:s4], $0x0  }
0x19: {  	s7 =	sld [smem:$0x3F9C]  }
0x1a: {  	s8 =	sadd.s32 $0xFFFFE003, lr  }
0x1b: {  	s9 =	sadd.s32 $0xFFFFFEF7, lr;
	s5 =	simm.s32 $0xFFFFFFFF;
	p2 =	slt.u32 s8, $0xFFFFF086  }
0x1c: {  	p1 =	slt.u32 s9, $0xF7A;
	s5 =	simm.s32 @!p2 $0x0  }
0x1d: {  	s5 =	simm.s32 @p1 $0x1;
	p0 =	seq.s32 s7, s2  }
0x1e: {  	s7 =	smul.u32 @!p0 $0xF7A, s2;
	p2 =	seq.s32 @!p0 s5, $0x0  }
0x1f: {  	s9 =	smul.u32 $0xF7A, s1;
	s8 =	simm.s32 @!p0 $0x1BF5;
	p2 =	por !p2, p0  }
0x20: {  	[sflag:s8] =	ssyncset.s32 @!p0 $0xFFFFF086;
	s6 =	sadd.s32 @!p0 s3, s7;
	s7 =	simm.s32 @!p0 $0x108  }
0x21: {  	s3 =	sadd.s32 s3, s9;
	s6 =	sadd.s32 @!p0 $0x88, s6;
	s7 =	simm.s32 @p2 $0x1082  }
0x22: {  	[simem:s7], [sflag:s8] =	dma.local @!p0 [hbm:s6], $0xF7A  }
0x23: {  	s9 =	sor.u32 $0xD0000000, s2;
	s6 =	simm.s32 $0x108;
	_ =	swait.ge @!p0 [sflag:s8], $0x0  }
0x24: {  	s3 =	sadd.s32 $0x88, s3;
	s6 =	simm.s32 @!p1 $0x1082;
	[sflag:s4] =	ssyncset.s32 $0xFFFFF086  }
0x25: {  	[simem:s6], [sflag:s4] =	dma.local [hbm:s3], $0xF7A  }
0x26: {  	[smem:$0x3F9C] =	sst s1;
	(tag) =	ssettag s2;
	_ =	strace s9  }
0x27: {  	s1 =	sld [smem:$0x3FAC]  }
0x28: {  	s2 =	sld [smem:$0x3FAD]  }
0x29: {  	s4 =	sld [smem:$0x3FAF]  }
0x2a: {  	p0 =	seq.s32 s5, $0x0;
	s5 =	sld [smem:$0x3FB0]  }
0x2b: {  	s6 =	sld [smem:$0x3FB1]  }
0x2c: {  	s7 =	sld [smem:$0x3FB2]  }
0x2d: {  	s3 =	simm.s32 $0x108;
	s8 =	sld [smem:$0x3FB3]  }
0x2e: {  	s3 =	simm.s32 @!p0 $0x1082;
	s9 =	sld [smem:$0x3FB4]  }
0x2f: {  	lr =	sadd.s32 s0, s3;
	s0 =	sld [smem:$0x3FAB]  }
0x30: {  	s3 =	sld [smem:$0x3FAE]  }
0x31: {  	[smem:$0x3FB7] =	sst s10  }
0x32: {  	s10 =	sld [smem:$0x3FB5];
	_ =	sdelay $0x3  }
0x33: {  	p0 =	seq.s32 s10, $0x1;
	s10 =	sld [smem:$0x3FB7];
	_ =	sdelay $0x3  }
0x34: {  	[smem:$0x3FB7] =	sst s10  }
0x35: {  	s10 =	sld [smem:$0x3FB6];
	_ =	sdelay $0x3  }
0x36: {  	p1 =	seq.s32 s10, $0x1;
	s10 =	sld [smem:$0x3FB7];
	_ =	sdelay $0x3  }
0x37: {  	[smem:$0x3FB7] =	sst s10  }
0x38: {  	s10 =	sld [smem:$0x3FB8]  }
0x39: {  	_ = 	snop;
	(pc) =	sbr.ind lr, $3  }
0x3a: {  	_ = 	snop  }
0x3b: {  	_ = 	snop  }
0x3c: {  	p2 =	seq.s32 s10, $0x1;
	s10 =	sld [smem:$0x3FB7]  }
0x3d: {  	_ =	shalt  }
0x3e: {  	_ =	shalt  }
0x3f: {  	_ =	shalt  }
0x40: {  	_ =	shalt  }
0x41: {  	_ =	shalt  }
0x42: {  	_ =	shalt  }
0x43: {  	_ =	shalt  }
0x44: {  	_ =	shalt  }
0x45: {  	_ =	shalt  }
0x46: {  	_ =	shalt  }
0x47: {  	_ =	shalt  }
0x48: {  	_ =	shalt  }
0x49: {  	_ =	shalt  }
0x4a: {  	_ =	shalt  }
0x4b: {  	_ =	shalt  }
0x4c: {  	_ =	shalt  }
0x4d: {  	_ =	shalt  }
0x4e: {  	_ =	shalt  }
0x4f: {  	_ =	shalt  }
0x50: {  	_ =	shalt  }
0x51: {  	_ =	shalt  }
0x52: {  	_ =	shalt  }
0x53: {  	_ =	shalt  }
0x54: {  	_ =	shalt  }
0x55: {  	_ =	shalt  }
0x56: {  	_ =	shalt  }
0x57: {  	_ =	shalt  }
0x58: {  	_ =	shalt  }
0x59: {  	_ =	shalt  }
0x5a: {  	_ =	shalt  }
0x5b: {  	_ =	shalt  }
0x5c: {  	_ =	shalt  }
0x5d: {  	_ =	shalt  }
0x5e: {  	_ =	shalt  }
0x5f: {  	_ =	shalt  }
0x60: {  	_ =	shalt  }
0x61: {  	_ =	shalt  }
0x62: {  	_ =	shalt  }
0x63: {  	_ =	shalt  }
0x64: {  	_ =	shalt  }
0x65: {  	_ =	shalt  }
0x66: {  	_ =	shalt  }
0x67: {  	_ =	shalt  }
0x68: {  	_ =	shalt  }
0x69: {  	_ =	shalt  }
0x6a: {  	_ =	shalt  }
0x6b: {  	_ =	shalt  }
0x6c: {  	_ =	shalt  }
0x6d: {  	_ =	shalt  }
0x6e: {  	_ =	shalt  }
0x6f: {  	_ =	shalt  }
0x70: {  	_ =	shalt  }
0x71: {  	_ =	shalt  }
0x72: {  	_ =	shalt  }
0x73: {  	_ =	shalt  }
0x74: {  	_ =	shalt  }
0x75: {  	_ =	shalt  }
0x76: {  	_ =	shalt  }
0x77: {  	_ =	shalt  }
0x78: {  	_ =	shalt  }
0x79: {  	_ =	shalt  }
0x7a: {  	_ =	shalt  }
0x7b: {  	_ =	shalt  }
0x7c: {  	_ =	shalt  }
0x7d: {  	_ =	shalt  }
0x7e: {  	_ =	shalt  }
0x7f: {  	_ =	shalt  }
0x80: {  	_ =	shalt  }
0x81: {  	_ =	shalt  }
0x82: {  	_ =	shalt  }
0x83: {  	_ =	shalt  }
0x84: {  	_ =	shalt  }
0x85: {  	_ =	shalt  }
0x86: {  	_ =	shalt  }
0x87: {  	_ =	shalt  }
.Lfunc_end0:
.L_simem_size_0:
called_computation_lowered:
.L_overlay_start_0:
0x88: {  	s2 =	sld [smem:$0x3FD9]  }
0x89: {  	s3 =	sld [smem:$0x3FFE];
	_ =	sdelay $0x1  }
0x8a: {  	s1 =	srdreg.scid  }
0x8b: {  	s0 =	sand.u32 $0x1, s1  }
0x8c: {  	s18 =	sshll.u32 s0, $0xA;
	s2 =	sadd.s32 s3, s2  }
0x8d: {  	s2 =	sadd.s32 s2, s18  }
0x8e: {  	[smem:$0x3FC3] =	sst s2  }
0x8f: {  	_ = 	snop  }
0x90: {  	s2 =	sld [smem:$0x3FC9]  }
0x91: {  	s19 =	sld [smem:$0x3FC8]  }
0x92: {  	s4 =	sld [smem:$0x3FC7]  }
0x93: {  	s5 =	sld [smem:$0x3FC6]  }
0x94: {  	s6 =	sld [smem:$0x3FC5]  }
0x95: {  	s7 =	sld [smem:$0x3FD0];
	(tm) =	ssettm $0x1  }
0x96: {  	s8 =	sld [smem:$0x3FFB];
	_ =	sdelay $0x3  }
0x97: {  	_ =	strace s8  }
0x98: {  	s8 =	sld [smem:$0x3FFC];
	_ =	sdelay $0x3  }
0x99: {  	_ =	strace s8  }
0x9a: {  	s8 =	sld [smem:$0x3FFD];
	_ =	sdelay $0x3  }
0x9b: {  	_ =	strace s8  }
0x9c: {  	_ =	strace $0x8FFFFFFF  }
0x9d: {  	s20 =	sld [smem:$0x3FDB];
	_ =	sdelay $0x1  }
0x9e: {  	s9 =	simm.s32 $_scs_section_size  }
0x9f: {  	s10 =	simm.s32 $_size__tile_overlayer_lowered;
	s11 =	simm.s32 $_tile_overlayer_lowered  }
0xa0: {  	s23 =	simm.s32 $0x1BFF;
	s22 =	sshll.u32 s11, $0x1;
	s8 =	sadd.s32 s9, s20  }
0xa1: {  	s12 =	simm.s32 $0x0;
	s21 =	sshll.u32 s10, $0x1;
	s10 =	sadd.s32 s22, s8  }
0xa2: {  	[timem:s12], [sflag:s23] =	dma.local [hbm:s10], s21  }
0xa3: {  	_ =	swait.ge [sflag:s23], s21  }
0xa4: {  	s9 =	ssub.s32 $0x0, s21;
	[sflag:s23] =	ssyncset.done $0x0  }
0xa5: {  	[sflag:s23] =	ssyncadd.s32 s9;
	_ =	sdelay $0x1  }
0xa6: {  	s24 =	simm.s32 $0x1B8B  }
0xa7: {  	_ =	swait.ge [sflag:s24], $0x1  }
0xa8: {  	[sflag:s24] =	ssyncset.done $0x0  }
0xa9: {  	s25 =	simm.s32 $0x1B8E;
	[sflag:s24] =	ssyncadd.s32 $0xFFFFFFFF  }
0xaa: {  	s26 =	simm.s32 $execute0_lowered;
	[smem:$0x3FD2] =	sst s25  }
0xab: {  	s9 =	sshll.u32 s26, $0x1;
	_ =	strace $0x80000046;
	[dreg:$0x1] =	wrdreg $0xFFFFFFFF  }
0xac: {  	s28 =	simm.s32 $_size_execute0_lowered;
	s8 =	sadd.s32 s8, s9;
	[dreg:$0x0] =	wrdreg $0x0  }
0xad: {  	s9 =	sshll.u32 s28, $0x1;
	[dreg:$0x2] =	wrdreg s8  }
0xae: {  	[dreg:$0x3] =	wrdreg s9  }
0xaf: {  	[dreg:$0x4] =	wrdreg $0xC0  }
0xb0: {  	_ =	task [dreg:s12], $0x5FFFF  }
0xb1: {  	[dreg:$0x1] =	wrdreg $0xFFFFFFFF  }
0xb2: {  	[dreg:$0x0] =	wrdreg $0x60  }
0xb3: {  	[dreg:$0x2] =	wrdreg s2  }
0xb4: {  	[dreg:$0x3] =	wrdreg s19  }
0xb5: {  	[dreg:$0x4] =	wrdreg s4  }
0xb6: {  	[dreg:$0x5] =	wrdreg s5  }
0xb7: {  	[dreg:$0x6] =	wrdreg s6  }
0xb8: {  	[dreg:$0x7] =	wrdreg s7  }
0xb9: {  	[dreg:$0x8] =	wrdreg $0xF3000  }
0xba: {  	[dreg:$0x9] =	wrdreg $0x9  }
0xbb: {  	_ =	task.clear_ibuf [dreg:s12], $0xAFFFF;
	_ =	strace $0x90000046  }
0xbc: {  	s29 =	simm.s32 $0x9;
	_ =	strace $0x80000048  }
0xbd: {  	_ =	swait.ge [sflag:s29], $0x1  }
0xbe: {  	[sflag:s29] =	ssyncadd.s32 $0xFFFFFFFF  }
0xbf: {  	_ =	strace $0x90000048  }
0xc0: {  	_ =	sfence  }
0xc1: {  	s30 =	sld [smem:$0x0];
	_ =	sdelay $0x2  }
0xc2: {  	s31 =	sshll.u32 s1, $0xD;
	s1 =	sshrl.u32 s1, $0x2  }
0xc3: {  	s3 =	sand.u32 $0x4000, s31;
	s1 =	sadd.s32 s1, s30  }
0xc4: {  	s0 =	sor.u32 s3, s0;
	s1 =	sshll.u32 s1, $0x11  }
0xc5: {  	s0 =	sor.u32 s1, s0  }
0xc6: {  	s0 =	sadd.s32 $0x8F2B, s0  }
0xc7: {  	[sflag:s0] =	ssyncadd.remote.s32 $0x1  }
0xc8: {  	_ =	sfence.sel $0xFFFF  }
0xc9: {  	[dreg:$0x0] =	wrdreg $0xFFFFFFFF;
	(pc) =	sbr.abs _section_cstart, $3  }
0xca: {  	[dreg:$0x1] =	wrdreg $0xFFFFFFFF  }
0xcb: {  	_ =	task.clear_ibuf [dreg:s12], $0x2FFFF;
	_ =	strace $0x9FFFFFFF  }
0xcc: {  	(tm) =	ssettm $0x7FFFFFFF  }
0xcd: {  	_ =	shalt  }
tec
execute0_lowered:
.L_overlay_start_1:
0x0: {  	(tag) =	ssettag $0x1  }
0x1: {  	s0 =	rddreg [dreg:$0x0]  }
0x2: {  	s6 =	rddreg [dreg:$0x5]  }
0x3: {  	s7 =	rddreg [dreg:$0x6];
	s1 =	srdreg.scid  }
0x4: {  	s2 =	stileid.u32;
	s8 =	simm.s32 $0x0;
	s1 =	sand.u32 $0x1, s1  }
0x5: {  	s10 =	simm.s32 $0x4010;
	s4 =	smul.u32 $0x3E800, s2;
	s3 =	ssub.s32 $0x2, s1  }
0x6: {  	[smem:$0x7FF] =	sst s8;
	s14 =	sadd.s32 $0xFA000, s7;
	s5 =	sshrl.u32 s3, $0x1  }
0x7: {  	_ =	strace $0x80000047;
	s4 =	sshrl.u32 s4, $0x2;
	s3 =	ssub.s32 s3, s5  }
0x8: {  	[dreg:$0x8] =	wrdreg s14;
	s9 =	sadd.s32 s4, s7;
	s16 =	smax.u32 s3, $0x1  }
0x9: {  	s15 =	sshll.u32 s2, $0x11;
	s17 =	sadd.s32 $0xFA0, s9;
	[dreg:$0x9] =	wrdreg s16  }
0xa: {  	s12 =	sshll.u32 s2, $0x14;
	s18 =	sadd.s32 $0x1F40, s9;
	[dreg:$0xa] =	wrdreg s17  }
0xb: {  	p0 =	sne.s32 s2, $0x0;
	s19 =	sadd.s32 $0x2EE0, s9;
	[dreg:$0xb] =	wrdreg s18  }
0xc: {  	s11 =	smul.u32 $0xA, s1;
	s20 =	sadd.s32 $0x3E80, s9;
	[dreg:$0xc] =	wrdreg s19  }
0xd: {  	s13 =	sadd.s32 s0, s15;
	s21 =	sadd.s32 $0x4E20, s9;
	[dreg:$0xd] =	wrdreg s20  }
0xe: {  	s14 =	sor.u32 $0x4000, s12;
	s22 =	sadd.s32 $0x5DC0, s9;
	[dreg:$0xe] =	wrdreg s21  }
0xf: {  	s15 =	smul.u32 $0xFA00, s2;
	s23 =	sadd.s32 $0x6D60, s9;
	[dreg:$0xf] =	wrdreg s22  }
0x10: {  	s2 =	simm.s32 $0x3;
	s24 =	sadd.s32 $0x7D00, s9;
	[dreg:$0x10] =	wrdreg s23  }
0x11: {  	s1 =	simm.s32 $0x4000;
	s25 =	sadd.s32 $0x8CA0, s9;
	[dreg:$0x11] =	wrdreg s24  }
0x12: {  	s4 =	simm.s32 $0xE100;
	s26 =	sadd.s32 $0x9C40, s9;
	[dreg:$0x12] =	wrdreg s25  }
0x13: {  	s5 =	simm.s32 $0x1;
	s28 =	sadd.s32 $0xABE0, s9;
	[dreg:$0x13] =	wrdreg s26  }
0x14: {  	v0 =	vlaneseq.u32;
	s29 =	sadd.s32 $0xBB80, s9;
	s30 =	sadd.s32 $0xCB20, s9;
	[dreg:$0x14] =	wrdreg s28  }
0x15: {  	v3 =	vmul.u32 $0x8, v0;
	s31 =	sadd.s32 $0xDAC0, s9;
	s3 =	sadd.s32 $0xEA60, s9;
	[dreg:$0x15] =	wrdreg s29  }
0x16: {  	v1 =	vimm.f32 $1.000000000e+00;
	v2 =	vimm.f32 $0.0e+00;
	[dreg:$0x16] =	wrdreg s30;
	s16 =	simm.s32 $0x8080;
	s17 =	simm.s32 $0x2  }
0x17: {  	v5 =	vimm.s32 $0x0;
	v4 =	vor.u32 $0x4000, v0;
	v3 =	vor.u32 $0xFA000, v3;
	s18 =	simm.s32 $0xC100;
	s19 =	simm.s32 $0xD100;
	s20 =	simm.s32 $0x0  }
.LBB2_1:
0x18: {  	s21 =	simm.s32 $0x80C0  }
0x19: {  	[tilespmem:s21+$0xFFFFFFC0] =	vst v1  }
0x1a: {  	[tilespmem:s21+$0x30] =	vst v1  }
0x1b: {  	[tilespmem:s21+$0x20] =	vst v1  }
0x1c: {  	[tilespmem:s21+$0x10] =	vst v1  }
0x1d: {  	[tilespmem:s21+$0x0] =	vst v1  }
0x1e: {  	[tilespmem:s21+$0xFFFFFFF0] =	vst v1  }
0x1f: {  	s22 =	simm.s32 $0x0;
	[tilespmem:s21+$0xFFFFFFE0] =	vst v1  }
.LBB2_2:
0x20: {  	s22 =	sadd.s32 $0x8, s22;
	[tilespmem:s21+$0xFFFFFFD0] =	vst v1;
	s21 =	sadd.s32 $0x80, s21  }
0x21: {  	[tilespmem:s21+$0xFFFFFFC0] =	vst v1;
	p1 =	slt.u32 s22, $0x3F8  }
0x22: {  	[tilespmem:s21+$0x30] =	vst v1  }
.Ltmp0:
0x23: {  	[tilespmem:s21+$0x20] =	vst v1;
	(pc) =	sbr.rel @p1 .LBB2_2-.Ltmp0, $4  }
0x24: {  	[tilespmem:s21+$0x10] =	vst v1  }
0x25: {  	[tilespmem:s21+$0x0] =	vst v1  }
0x26: {  	[tilespmem:s21+$0xFFFFFFF0] =	vst v1  }
0x27: {  	[tilespmem:s21+$0xFFFFFFE0] =	vst v1  }
0x28: {  	[tilespmem:s21+$0xFFFFFFD0] =	vst v1  }
0x29: {  	s21 =	simm.s32 $0xE140;
	[tilespmem:$0xC080] =	vst v1  }
0x2a: {  	[tilespmem:s21+$0xFFFFFFC0] =	vst v2  }
0x2b: {  	[tilespmem:s21+$0x30] =	vst v2  }
0x2c: {  	[tilespmem:s21+$0x20] =	vst v2  }
0x2d: {  	[tilespmem:s21+$0x10] =	vst v2  }
0x2e: {  	[tilespmem:s21+$0x0] =	vst v2  }
0x2f: {  	[tilespmem:s21+$0xFFFFFFF0] =	vst v2  }
0x30: {  	s22 =	simm.s32 $0x0;
	[tilespmem:s21+$0xFFFFFFE0] =	vst v2  }
.LBB2_4:
0x31: {  	s22 =	sadd.s32 $0x8, s22;
	[tilespmem:s21+$0xFFFFFFD0] =	vst v2;
	s21 =	sadd.s32 $0x80, s21  }
0x32: {  	[tilespmem:s21+$0xFFFFFFC0] =	vst v2;
	p1 =	slt.u32 s22, $0xF0  }
0x33: {  	[tilespmem:s21+$0x30] =	vst v2  }
.Ltmp1:
0x34: {  	[tilespmem:s21+$0x20] =	vst v2;
	(pc) =	sbr.rel @p1 .LBB2_4-.Ltmp1, $4  }
0x35: {  	[tilespmem:s21+$0x10] =	vst v2  }
0x36: {  	[tilespmem:s21+$0x0] =	vst v2  }
0x37: {  	[tilespmem:s21+$0xFFFFFFF0] =	vst v2  }
0x38: {  	[tilespmem:s21+$0xFFFFFFE0] =	vst v2  }
0x39: {  	[tilespmem:s21+$0xFFFFFFD0] =	vst v2;
	s21 =	simm.s32 $0x0  }
.LBB2_6:
0x3a: {  	p1 =	sne.s32 s21, $0x40  }
.Ltmp2:
0x3b: {  	_ = 	snop;
	(pc) =	sbr.rel @p1 .LBB2_6-.Ltmp2, $3  }
0x3c: {  	_ =	sdelay $0x1  }
0x3d: {  	s22 =	sshra.s32 s21, $0x2  }
0x3e: {  	s21 =	sadd.s32 $0x40, s21;
	[tilespmem:s22+$0xF080] =	vst v2  }
0x3f: {  	s21 =	rddreg [dreg:$0x1];
	s22 =	simm.s32 $0xF100  }
0x40: {  	[tilespmem:s22], [sflag:$0x3] =	stream.linear.gather [hbm4b:s21+s8], $0x80, $0x38;
	[tilespmem:$0x1ED08] =	vst v63  }
0x41: {  	_ =	swait.ge [sflag:s2], $0x80  }
0x42: {  	[sflag:s2] =	ssyncset.done $0x0  }
0x43: {  	[sflag:s2] =	ssyncadd.s32 $0xFFFFFF80  }
0x44: {  	s28 =	simm.s32 $0xF180;
	s26 =	rddreg [dreg:$0x2]  }
0x45: {  	[tilespmem:s28], [sflag:$0x3] =	stream.linear.gather [hbm4b:s26+s8], $0x80, $0x38;
	[tilespmem:$0x1ED08] =	vst v63  }
0x46: {  	_ =	swait.ge [sflag:s2], $0x80  }
0x47: {  	[sflag:s2] =	ssyncset.done $0x0  }
0x48: {  	[sflag:s2] =	ssyncadd.s32 $0xFFFFFF80  }
0x49: {  	s30 =	simm.s32 $0xF200;
	s29 =	rddreg [dreg:$0x3]  }
0x4a: {  	[tilespmem:s30], [sflag:$0x3] =	stream.linear.gather [hbm4b:s29+s8], $0x80, $0x38;
	[tilespmem:$0x1ED08] =	vst v63  }
0x4b: {  	_ =	swait.ge [sflag:s2], $0x80  }
0x4c: {  	[sflag:s2] =	ssyncset.done $0x0  }
0x4d: {  	[sflag:s2] =	ssyncadd.s32 $0xFFFFFF80  }
0x4e: {  	s24 =	simm.s32 $0xF280;
	s23 =	rddreg [dreg:$0x4]  }
0x4f: {  	[tilespmem:s24], [sflag:$0x3] =	stream.linear.gather [hbm4b:s23+s8], $0x80, $0x38;
	[tilespmem:$0x1ED08] =	vst v63  }
0x50: {  	_ =	swait.ge [sflag:s2], $0x80  }
0x51: {  	[sflag:s2] =	ssyncset.done $0x0  }
0x52: {  	[sflag:s2] =	ssyncadd.s32 $0xFFFFFF80  }
0x53: {  	[spmem:s9] =	stream.linear.scatter [tilespmem:s4], [sflag:$0x3], $0xFA0, $0x38;
	[tilespmem:$0x1ED08] =	vst v63  }
0x54: {  	_ =	swait.ge [sflag:s2], $0xFA0  }
0x55: {  	[sflag:s2] =	ssyncset.done $0x0  }
0x56: {  	s25 =	rddreg [dreg:$0xa];
	[sflag:s2] =	ssyncadd.s32 $0xFFFFF060  }
0x57: {  	[spmem:s25] =	stream.linear.scatter [tilespmem:s4], [sflag:$0x3], $0xFA0, $0x38;
	[tilespmem:$0x1ED08] =	vst v63  }
0x58: {  	_ =	swait.ge [sflag:s2], $0xFA0  }
0x59: {  	[sflag:s2] =	ssyncset.done $0x0  }
0x5a: {  	s26 =	rddreg [dreg:$0xb];
	[sflag:s2] =	ssyncadd.s32 $0xFFFFF060  }
0x5b: {  	[spmem:s26] =	stream.linear.scatter [tilespmem:s4], [sflag:$0x3], $0xFA0, $0x38;
	[tilespmem:$0x1ED08] =	vst v63  }
0x5c: {  	_ =	swait.ge [sflag:s2], $0xFA0  }
0x5d: {  	[sflag:s2] =	ssyncset.done $0x0  }
0x5e: {  	s28 =	rddreg [dreg:$0xc];
	[sflag:s2] =	ssyncadd.s32 $0xFFFFF060  }
0x5f: {  	[spmem:s28] =	stream.linear.scatter [tilespmem:s4], [sflag:$0x3], $0xFA0, $0x38;
	[tilespmem:$0x1ED08] =	vst v63  }
0x60: {  	_ =	swait.ge [sflag:s2], $0xFA0  }
0x61: {  	[sflag:s2] =	ssyncset.done $0x0  }
0x62: {  	s29 =	rddreg [dreg:$0xd];
	[sflag:s2] =	ssyncadd.s32 $0xFFFFF060  }
0x63: {  	[spmem:s29] =	stream.linear.scatter [tilespmem:s4], [sflag:$0x3], $0xFA0, $0x38;
	[tilespmem:$0x1ED08] =	vst v63  }
0x64: {  	_ =	swait.ge [sflag:s2], $0xFA0  }
0x65: {  	[sflag:s2] =	ssyncset.done $0x0  }
0x66: {  	s30 =	rddreg [dreg:$0xe];
	[sflag:s2] =	ssyncadd.s32 $0xFFFFF060  }
0x67: {  	[spmem:s30] =	stream.linear.scatter [tilespmem:s4], [sflag:$0x3], $0xFA0, $0x38;
	[tilespmem:$0x1ED08] =	vst v63  }
0x68: {  	_ =	swait.ge [sflag:s2], $0xFA0  }
0x69: {  	[sflag:s2] =	ssyncset.done $0x0  }
0x6a: {  	s22 =	rddreg [dreg:$0xf];
	[sflag:s2] =	ssyncadd.s32 $0xFFFFF060  }
0x6b: {  	[spmem:s22] =	stream.linear.scatter [tilespmem:s4], [sflag:$0x3], $0xFA0, $0x38;
	[tilespmem:$0x1ED08] =	vst v63  }
0x6c: {  	_ =	swait.ge [sflag:s2], $0xFA0  }
0x6d: {  	[sflag:s2] =	ssyncset.done $0x0  }
0x6e: {  	s23 =	rddreg [dreg:$0x10];
	[sflag:s2] =	ssyncadd.s32 $0xFFFFF060  }
0x6f: {  	[spmem:s23] =	stream.linear.scatter [tilespmem:s4], [sflag:$0x3], $0xFA0, $0x38;
	[tilespmem:$0x1ED08] =	vst v63  }
0x70: {  	_ =	swait.ge [sflag:s2], $0xFA0  }
0x71: {  	[sflag:s2] =	ssyncset.done $0x0  }
0x72: {  	s24 =	rddreg [dreg:$0x11];
	[sflag:s2] =	ssyncadd.s32 $0xFFFFF060  }
0x73: {  	[spmem:s24] =	stream.linear.scatter [tilespmem:s4], [sflag:$0x3], $0xFA0, $0x38;
	[tilespmem:$0x1ED08] =	vst v63  }
0x74: {  	_ =	swait.ge [sflag:s2], $0xFA0  }
0x75: {  	[sflag:s2] =	ssyncset.done $0x0  }
0x76: {  	s25 =	rddreg [dreg:$0x12];
	[sflag:s2] =	ssyncadd.s32 $0xFFFFF060  }
0x77: {  	[spmem:s25] =	stream.linear.scatter [tilespmem:s4], [sflag:$0x3], $0xFA0, $0x38;
	[tilespmem:$0x1ED08] =	vst v63  }
0x78: {  	_ =	swait.ge [sflag:s2], $0xFA0  }
0x79: {  	[sflag:s2] =	ssyncset.done $0x0  }
0x7a: {  	s26 =	rddreg [dreg:$0x13];
	[sflag:s2] =	ssyncadd.s32 $0xFFFFF060  }
0x7b: {  	[spmem:s26] =	stream.linear.scatter [tilespmem:s4], [sflag:$0x3], $0xFA0, $0x38;
	[tilespmem:$0x1ED08] =	vst v63  }
0x7c: {  	_ =	swait.ge [sflag:s2], $0xFA0  }
0x7d: {  	[sflag:s2] =	ssyncset.done $0x0  }
0x7e: {  	s28 =	rddreg [dreg:$0x14];
	[sflag:s2] =	ssyncadd.s32 $0xFFFFF060  }
0x7f: {  	[spmem:s28] =	stream.linear.scatter [tilespmem:s4], [sflag:$0x3], $0xFA0, $0x38;
	[tilespmem:$0x1ED08] =	vst v63  }
0x80: {  	_ =	swait.ge [sflag:s2], $0xFA0  }
0x81: {  	[sflag:s2] =	ssyncset.done $0x0  }
0x82: {  	s29 =	rddreg [dreg:$0x15];
	[sflag:s2] =	ssyncadd.s32 $0xFFFFF060  }
0x83: {  	[spmem:s29] =	stream.linear.scatter [tilespmem:s4], [sflag:$0x3], $0xFA0, $0x38;
	[tilespmem:$0x1ED08] =	vst v63  }
0x84: {  	_ =	swait.ge [sflag:s2], $0xFA0  }
0x85: {  	[sflag:s2] =	ssyncset.done $0x0  }
0x86: {  	s30 =	rddreg [dreg:$0x16];
	[sflag:s2] =	ssyncadd.s32 $0xFFFFF060  }
0x87: {  	[spmem:s30] =	stream.linear.scatter [tilespmem:s4], [sflag:$0x3], $0xFA0, $0x38;
	[tilespmem:$0x1ED08] =	vst v63  }
0x88: {  	_ =	swait.ge [sflag:s2], $0xFA0  }
0x89: {  	[sflag:s2] =	ssyncset.done $0x0  }
0x8a: {  	[sflag:s2] =	ssyncadd.s32 $0xFFFFF060  }
0x8b: {  	[spmem:s31] =	stream.linear.scatter [tilespmem:s4], [sflag:$0x3], $0xFA0, $0x38;
	[tilespmem:$0x1ED08] =	vst v63  }
0x8c: {  	_ =	swait.ge [sflag:s2], $0xFA0  }
0x8d: {  	[sflag:s2] =	ssyncset.done $0x0  }
0x8e: {  	[sflag:s2] =	ssyncadd.s32 $0xFFFFF060  }
0x8f: {  	[spmem:s3] =	stream.linear.scatter [tilespmem:s4], [sflag:$0x3], $0xFA0, $0x38;
	[tilespmem:$0x1ED08] =	vst v63  }
0x90: {  	_ =	swait.ge [sflag:s2], $0xFA0  }
0x91: {  	[sflag:s2] =	ssyncset.done $0x0  }
0x92: {  	s21 =	simm.s32 @!p0 $0xE100;
	s22 =	rddreg [dreg:$0x8];
	[sflag:s2] =	ssyncadd.s32 $0xFFFFF060  }
0x93: {  	[spmem:s22] =	stream.linear.scatter @!p0 [tilespmem:s21], [sflag:$0x3], $0x80, $0x38;
	[tilespmem:$0x1ED08] =	vst v63  }
0x94: {  	s21 =	simm.s32 @!p0 $0x3  }
0x95: {  	_ =	swait.ge @!p0 [sflag:s21], $0x80  }
0x96: {  	[sflag:s21] =	ssyncset.done @!p0 $0x0  }
0x97: {  	[sflag:s21] =	ssyncadd.s32 @!p0 $0xFFFFFF80  }
0x98: {  	s21 =	simm.s32 $0x4040;
	[bflag:$0x0] =	sbarrier.arrive $0xFFFF  }
0x99: {  	[tilespmem:s21+$0xFFFFFFC0] =	vst v3  }
0x9a: {  	[tilespmem:s21+$0x30] =	vst v3  }
0x9b: {  	[tilespmem:s21+$0x20] =	vst v3  }
0x9c: {  	[tilespmem:s21+$0x10] =	vst v3  }
0x9d: {  	[tilespmem:s21+$0x0] =	vst v3  }
0x9e: {  	[tilespmem:s21+$0xFFFFFFF0] =	vst v3  }
0x9f: {  	s22 =	simm.s32 $0x0;
	[tilespmem:s21+$0xFFFFFFE0] =	vst v3  }
.LBB2_8:
0xa0: {  	s22 =	sadd.s32 $0x8, s22;
	[tilespmem:s21+$0xFFFFFFD0] =	vst v3;
	s21 =	sadd.s32 $0x80, s21  }
0xa1: {  	[tilespmem:s21+$0xFFFFFFC0] =	vst v3;
	p1 =	slt.u32 s22, $0x3F8  }
0xa2: {  	[tilespmem:s21+$0x30] =	vst v3  }
.Ltmp3:
0xa3: {  	[tilespmem:s21+$0x20] =	vst v3;
	(pc) =	sbr.rel @p1 .LBB2_8-.Ltmp3, $4  }
0xa4: {  	[tilespmem:s21+$0x10] =	vst v3  }
0xa5: {  	[tilespmem:s21+$0x0] =	vst v3  }
0xa6: {  	[tilespmem:s21+$0xFFFFFFF0] =	vst v3  }
0xa7: {  	[tilespmem:s21+$0xFFFFFFE0] =	vst v3  }
0xa8: {  	[tilespmem:s21+$0xFFFFFFD0] =	vst v3  }
0xa9: {  	s21 =	simm.s32 $0x0;
	[tilespmem:$0x8000] =	vst v3  }
.LBB2_10:
0xaa: {  	s22 =	simm.s32 $0x10  }
0xab: {  	s25 =	sadd.s32 $0x0, s13;
	s23 =	simm.s32 $0x100;
	s24 =	simm.s32 $0x0  }
.LBB2_11:
0xac: {  	[tilespmem:s24], [sflag:$0x1] =	stream.linear.gather [hbm4b:s25+s8], $0x80, $0x38;
	[tilespmem:$0x1ED08] =	vst v63  }
0xad: {  	s25 =	smov.u32 s22;
	s24 =	smov.u32 s23;
	p1 =	seq.s32 s22, $0x3F0  }
.Ltmp4:
0xae: {  	s22 =	sadd.s32 $0x10, s22;
	(pc) =	sbr.rel @!p1 .LBB2_11-.Ltmp4, $2  }
0xaf: {  	_ =	sdelay $0x2  }
0xb0: {  	s23 =	sadd.s32 $0x100, s23;
	s25 =	sadd.s32 s25, s13  }
.Ltmp5:
0xb1: {  	(pc) =	sbr.rel .LBB2_13-.Ltmp5, $4  }
0xb2: {  	s22 =	sadd.s32 s11, s21  }
0xb3: {  	s22 =	smul.u32 $0xFA000, s22  }
0xb4: {  	[tilespmem:s24], [sflag:$0x1] =	stream.linear.gather [hbm4b:s25+s8], $0x80, $0x38;
	[tilespmem:$0x1ED08] =	vst v63  }
0xb5: {  	s23 =	simm.s32 $0x0;
	v7 =	vimm.s32 $0x0;
	v6 =	vmov s22  }
.LBB2_30:
0xb6: {  	[tilespmem:s24+$0xFFFFFFD0] =	vst v3  }
0xb7: {  	[tilespmem:$0x8000] =	vst v3  }
.LBB2_31:
0xb8: {  	p1 =	sne.s32 s23, $0x40  }
.Ltmp6:
0xb9: {  	_ = 	snop;
	(pc) =	sbr.rel @!p1 .LBB2_32-.Ltmp6, $1  }
0xba: {  	_ =	sdelay $0x3  }
.LBB2_13:
0xbb: {  	s24 =	sshll.u32 s23, $0xE  }
0xbc: {  	s25 =	sor.u32 s24, s12  }
0xbd: {  	s25 =	sshrl.u32 s25, $0x3  }
0xbe: {  	s25 =	sadd.s32 s25, s0  }
0xbf: {  	s26 =	simm.s32 $0x80;
	s25 =	sadd.s32 $0x400, s25  }
0xc0: {  	s28 =	simm.s32 $0x10;
	s29 =	simm.s32 $0x180;
	s30 =	sadd.s32 $0x0, s25  }
.LBB2_14:
0xc1: {  	[tilespmem:s26], [sflag:$0x2] =	stream.linear.gather [hbm4b:s30+s8], $0x80, $0x38;
	[tilespmem:$0x1ED08] =	vst v63  }
0xc2: {  	s30 =	smov.u32 s28;
	s26 =	smov.u32 s29;
	p1 =	sne.s32 s28, $0x3F0  }
.Ltmp7:
0xc3: {  	s28 =	sadd.s32 $0x10, s28;
	(pc) =	sbr.rel @p1 .LBB2_14-.Ltmp7, $2  }
0xc4: {  	_ =	sdelay $0x2  }
0xc5: {  	s29 =	sadd.s32 $0x100, s29;
	s30 =	sadd.s32 s30, s25  }
0xc6: {  	[tilespmem:s26], [sflag:$0x2] =	stream.linear.gather [hbm4b:s30+s8], $0x80, $0x38;
	[tilespmem:$0x1ED08] =	vst v63  }
0xc7: {  	_ =	swait.ge [sflag:s5], $0x2000  }
0xc8: {  	[sflag:s5] =	ssyncset.done $0x0  }
0xc9: {  	s25 =	simm.s32 $0x100;
	[sflag:s5] =	ssyncadd.s32 $0xFFFFE000  }
0xca: {  	v9 =	vld [tilespmem:s25+$0x70]  }
0xcb: {  	v11 =	vld [tilespmem:s25+$0x60]  }
0xcc: {  	v12 =	vld [tilespmem:s25+$0x50]  }
0xcd: {  	v10 =	vld [tilespmem:s25+$0x40]  }
0xce: {  	v13 =	vld [tilespmem:s25+$0x30]  }
0xcf: {  	v14 =	vld [tilespmem:s25+$0x20]  }
0xd0: {  	v15 =	vld [tilespmem:s25+$0x10]  }
0xd1: {  	v19 =	vld [tilespmem:s25+$0x0]  }
0xd2: {  	v16 =	vld [tilespmem:s25+$0xFFFFFF70]  }
0xd3: {  	v20 =	vld [tilespmem:s25+$0xFFFFFF60]  }
0xd4: {  	v21 =	vld [tilespmem:s25+$0xFFFFFF50]  }
0xd5: {  	v22 =	vld [tilespmem:s25+$0xFFFFFF40]  }
0xd6: {  	v23 =	vld [tilespmem:s25+$0xFFFFFF30]  }
0xd7: {  	v24 =	vld [tilespmem:s25+$0xFFFFFF00]  }
0xd8: {  	v8 =	vand.u32 $0x3FF0, v7;
	v25 =	vld [tilespmem:s25+$0xFFFFFF10]  }
0xd9: {  	v8 =	vor.u32 v0, v8;
	v26 =	vld [tilespmem:s25+$0xFFFFFF20];
	v9 =	vsub.s32 v9, v6  }
0xda: {  	v10 =	vsub.s32 v10, v6;
	v12 =	vsub.s32 v12, v6;
	v17 =	vsub.s32 v11, v6  }
0xdb: {  	v11 =	vsub.s32 v15, v6;
	v14 =	vsub.s32 v14, v6;
	v18 =	vsub.s32 v13, v6  }
0xdc: {  	v13 =	vsub.s32 v20, v6;
	v16 =	vsub.s32 v16, v6;
	v20 =	vsub.s32 v19, v6  }
0xdd: {  	v15 =	vsub.s32 v24, v6;
	v19 =	vsub.s32 v22, v6;
	v21 =	vsub.s32 v21, v6  }
0xde: {  	v22 =	vsub.s32 v25, v6;
	v23 =	vsub.s32 v23, v6;
	v24 =	vsub.s32 v26, v6  }
0xdf: {  	vm0 =	vlt.u32 v15, $0xFA000;
	vm1 =	vlt.u32 v22, $0xFA000;
	vm2 =	vlt.u32 v24, $0xFA000  }
0xe0: {  	vm3 =	vlt.u32 v23, $0xFA000;
	vm4 =	vlt.u32 v19, $0xFA000;
	vm5 =	vlt.u32 v21, $0xFA000  }
0xe1: {  	vm6 =	vlt.u32 v13, $0xFA000;
	vm7 =	vlt.u32 v16, $0xFA000;
	v25 =	vsel vm0, $0x10, v5  }
0xe2: {  	vm8 =	vlt.u32 v20, $0xFA000;
	v27 =	vadd.s32 v7, v25;
	v7 =	vsel vm1, $0x10, v5  }
0xe3: {  	vm9 =	vlt.u32 v11, $0xFA000;
	v31 =	vadd.s32 v27, v7;
	v7 =	vsel vm2, $0x10, v5  }
0xe4: {  	vm10 =	vlt.u32 v14, $0xFA000;
	v40 =	vadd.s32 v31, v7;
	v7 =	vsel vm3, $0x10, v5  }
0xe5: {  	vm11 =	vlt.u32 v18, $0xFA000;
	v25 =	vadd.s32 v40, v7;
	v7 =	vsel vm4, $0x10, v5  }
0xe6: {  	vm12 =	vlt.u32 v10, $0xFA000;
	v32 =	vadd.s32 v25, v7;
	v7 =	vsel vm5, $0x10, v5  }
0xe7: {  	vm13 =	vlt.u32 v12, $0xFA000;
	v35 =	vadd.s32 v32, v7;
	v7 =	vsel vm6, $0x10, v5  }
0xe8: {  	vm14 =	vlt.u32 v17, $0xFA000;
	v26 =	vadd.s32 v35, v7;
	v7 =	vsel vm7, $0x10, v5  }
0xe9: {  	vm15 =	vlt.u32 v9, $0xFA000;
	v34 =	vadd.s32 v26, v7;
	v7 =	vsel vm8, $0x10, v5  }
0xea: {  	v29 =	vsel vm13, $0x10, v5;
	v37 =	vadd.s32 v34, v7;
	v7 =	vsel vm9, $0x10, v5  }
0xeb: {  	v33 =	vsel vm14, $0x10, v5;
	v28 =	vadd.s32 v37, v7;
	v7 =	vsel vm10, $0x10, v5  }
0xec: {  	v41 =	vsel vm15, $0x10, v5;
	v36 =	vadd.s32 v28, v7;
	v7 =	vsel vm11, $0x10, v5  }
0xed: {  	v27 =	vand.u32 $0x3FF0, v27;
	v39 =	vadd.s32 v36, v7;
	v7 =	vsel vm12, $0x10, v5  }
0xee: {  	v25 =	vand.u32 $0x3FF0, v25;
	v35 =	vand.u32 $0x3FF0, v35;
	v7 =	vadd.s32 v39, v7  }
0xef: {  	v26 =	vand.u32 $0x3FF0, v26;
	v37 =	vand.u32 $0x3FF0, v37;
	v29 =	vadd.s32 v7, v29  }
0xf0: {  	v28 =	vand.u32 $0x3FF0, v28;
	v39 =	vand.u32 $0x3FF0, v39;
	v38 =	vadd.s32 v29, v33  }
0xf1: {  	v30 =	vand.u32 $0x3FF0, v29;
	v29 =	vand.u32 $0x3FF0, v7;
	v33 =	vand.u32 $0x3FF0, v38  }
0xf2: {  	v7 =	vadd.s32 v38, v41;
	v38 =	vand.u32 $0x3FF0, v36;
	v36 =	vand.u32 $0x3FF0, v34  }
0xf3: {  	s26 =	simm.s32 $0x0;
	v34 =	vand.u32 $0x3FF0, v32;
	v32 =	vand.u32 $0x3FF0, v31;
	v31 =	vand.u32 $0x3FF0, v40  }
.LBB2_16:
0xf4: {  	v40 =	vand.u32 $0x3FF0, v7;
	v30 =	vor.u32 v0, v30;
	v33 =	vor.u32 v0, v33  }
0xf5: {  	v38 =	vor.u32 v0, v38;
	v39 =	vor.u32 v0, v39;
	v29 =	vor.u32 v0, v29;
	s25 =	sadd.s32 $0x200, s25  }
0xf6: {  	v36 =	vor.u32 v0, v36;
	v37 =	vor.u32 v0, v37;
	v28 =	vor.u32 v0, v28;
	v41 =	vld [tilespmem:s25+$0x70]  }
0xf7: {  	v34 =	vor.u32 v0, v34;
	v35 =	vor.u32 v0, v35;
	v26 =	vor.u32 v0, v26;
	v42 =	vld [tilespmem:s25+$0x60]  }
0xf8: {  	v32 =	vor.u32 v0, v32;
	v31 =	vor.u32 v0, v31;
	v25 =	vor.u32 v0, v25;
	v43 =	vld [tilespmem:s25+$0x50]  }
0xf9: {  	v27 =	vor.u32 v0, v27;
	v40 =	vor.u32 v0, v40;
	v33 =	vsel vm15, v33, v4;
	v44 =	vld [tilespmem:s25+$0x40]  }
0xfa: {  	v39 =	vsel vm12, v39, v4;
	v29 =	vsel vm13, v29, v4;
	v30 =	vsel vm14, v30, v4;
	v45 =	vld [tilespmem:s25+$0x30]  }
0xfb: {  	v37 =	vsel vm9, v37, v4;
	v28 =	vsel vm10, v28, v4;
	v38 =	vsel vm11, v38, v4;
	v46 =	vld [tilespmem:s25+$0x20]  }
0xfc: {  	s26 =	sadd.s32 $0x10, s26;
	v35 =	vsel vm6, v35, v4;
	v26 =	vsel vm7, v26, v4;
	v36 =	vsel vm8, v36, v4;
	v47 =	vld [tilespmem:s25+$0x10]  }
0xfd: {  	p1 =	slt.u32 s26, $0x1F0;
	v31 =	vsel vm3, v31, v4;
	v25 =	vsel vm4, v25, v4;
	v34 =	vsel vm5, v34, v4;
	v48 =	vld [tilespmem:s25+$0x0]  }
0xfe: {  	v50 =	vsel vm0, v8, v4;
	v27 =	vsel vm1, v27, v4;
	v32 =	vsel vm2, v32, v4;
	v8 =	vmovc v40;
	v49 =	vld [tilespmem:s25+$0xFFFFFF70]  }
0xff: {  	v51 =	vsel vm0, v15, v3;
	v52 =	vsel vm1, v22, v3;
	v53 =	vsel vm2, v24, v3;
	v40 =	vld [tilespmem:s25+$0xFFFFFF60]  }
0x100: {  	v54 =	vsel vm3, v23, v3;
	v55 =	vsel vm4, v19, v3;
	v56 =	vsel vm5, v21, v3;
	v22 =	vld [tilespmem:s25+$0xFFFFFF50]  }
0x101: {  	v57 =	vsel vm6, v13, v3;
	v58 =	vsel vm7, v16, v3;
	v59 =	vsel vm8, v20, v3;
	v19 =	vld [tilespmem:s25+$0xFFFFFF40]  }
0x102: {  	v60 =	vsel vm9, v11, v3;
	v61 =	vsel vm10, v14, v3;
	v62 =	vsel vm11, v18, v3;
	v23 =	vld [tilespmem:s25+$0xFFFFFF30]  }
0x103: {  	v63 =	vsel vm12, v10, v3;
	v1 =	vsel vm13, v12, v3;
	v10 =	vsel vm14, v17, v3;
	v15 =	vld [tilespmem:s25+$0xFFFFFF00]  }
0x104: {  	v24 =	vld [tilespmem:s25+$0xFFFFFF10];
	[tilespmem:v30+s1+$0x0] =	vst.idx.msk $0xffff, v10;
	v30 =	vsel vm15, v9, v3;
	v9 =	vsub.s32 v41, v6  }
0x105: {  	v17 =	vsub.s32 v42, v6;
	v12 =	vsub.s32 v43, v6;
	v10 =	vsub.s32 v44, v6;
	v41 =	vld [tilespmem:s25+$0xFFFFFF20]  }
0x106: {  	v18 =	vsub.s32 v45, v6;
	v14 =	vsub.s32 v46, v6;
	v11 =	vsub.s32 v47, v6  }
0x107: {  	v20 =	vsub.s32 v48, v6;
	v16 =	vsub.s32 v49, v6;
	v13 =	vsub.s32 v40, v6  }
0x108: {  	v21 =	vsub.s32 v22, v6;
	v19 =	vsub.s32 v19, v6;
	v15 =	vsub.s32 v15, v6  }
0x109: {  	v23 =	vsub.s32 v23, v6;
	vm0 =	vlt.u32 v15, $0xFA000;
	v22 =	vsub.s32 v24, v6;
	[tilespmem:v33+s1+$0x0] =	vst.idx.msk $0xffff, v30  }
0x10a: {  	v30 =	vsel vm0, $0x10, v5;
	vm1 =	vlt.u32 v22, $0xFA000;
	v24 =	vsub.s32 v41, v6;
	[tilespmem:v29+s1+$0x0] =	vst.idx.msk $0xffff, v1  }
0x10b: {  	v1 =	vadd.s32 v7, v30;
	v7 =	vsel vm1, $0x10, v5;
	vm2 =	vlt.u32 v24, $0xFA000;
	[tilespmem:v39+s1+$0x0] =	vst.idx.msk $0xffff, v63  }
0x10c: {  	vm3 =	vlt.u32 v23, $0xFA000;
	v40 =	vadd.s32 v1, v7;
	v7 =	vsel vm2, $0x10, v5;
	[tilespmem:v38+s1+$0x0] =	vst.idx.msk $0xffff, v62  }
0x10d: {  	vm4 =	vlt.u32 v19, $0xFA000;
	v41 =	vadd.s32 v40, v7;
	v7 =	vsel vm3, $0x10, v5;
	[tilespmem:v28+s1+$0x0] =	vst.idx.msk $0xffff, v61  }
0x10e: {  	vm5 =	vlt.u32 v21, $0xFA000;
	v42 =	vadd.s32 v41, v7;
	v7 =	vsel vm4, $0x10, v5;
	[tilespmem:v37+s1+$0x0] =	vst.idx.msk $0xffff, v60  }
0x10f: {  	vm6 =	vlt.u32 v13, $0xFA000;
	v43 =	vadd.s32 v42, v7;
	v7 =	vsel vm5, $0x10, v5;
	[tilespmem:v36+s1+$0x0] =	vst.idx.msk $0xffff, v59  }
0x110: {  	vm7 =	vlt.u32 v16, $0xFA000;
	v44 =	vadd.s32 v43, v7;
	v7 =	vsel vm6, $0x10, v5;
	[tilespmem:v26+s1+$0x0] =	vst.idx.msk $0xffff, v58  }
0x111: {  	vm8 =	vlt.u32 v20, $0xFA000;
	v26 =	vadd.s32 v44, v7;
	v7 =	vsel vm7, $0x10, v5;
	[tilespmem:v35+s1+$0x0] =	vst.idx.msk $0xffff, v57  }
0x112: {  	vm9 =	vlt.u32 v11, $0xFA000;
	v35 =	vadd.s32 v26, v7;
	v7 =	vsel vm8, $0x10, v5;
	[tilespmem:v34+s1+$0x0] =	vst.idx.msk $0xffff, v56  }
0x113: {  	vm10 =	vlt.u32 v14, $0xFA000;
	v34 =	vadd.s32 v35, v7;
	v7 =	vsel vm9, $0x10, v5;
	[tilespmem:v25+s1+$0x0] =	vst.idx.msk $0xffff, v55  }
0x114: {  	vm11 =	vlt.u32 v18, $0xFA000;
	v25 =	vadd.s32 v34, v7;
	v7 =	vsel vm10, $0x10, v5;
	[tilespmem:v31+s1+$0x0] =	vst.idx.msk $0xffff, v54  }
0x115: {  	vm12 =	vlt.u32 v10, $0xFA000;
	v31 =	vadd.s32 v25, v7;
	v7 =	vsel vm11, $0x10, v5;
	[tilespmem:v32+s1+$0x0] =	vst.idx.msk $0xffff, v53  }
0x116: {  	vm13 =	vlt.u32 v12, $0xFA000;
	v32 =	vadd.s32 v31, v7;
	v7 =	vsel vm12, $0x10, v5;
	[tilespmem:v27+s1+$0x0] =	vst.idx.msk $0xffff, v52  }
0x117: {  	vm14 =	vlt.u32 v17, $0xFA000;
	v27 =	vsel vm13, $0x10, v5;
	v7 =	vadd.s32 v32, v7;
	[tilespmem:v50+s1+$0x0] =	vst.idx.msk $0xffff, v51  }
0x118: {  	vm15 =	vlt.u32 v9, $0xFA000;
	v28 =	vsel vm14, $0x10, v5;
	v27 =	vadd.s32 v7, v27  }
0x119: {  	v30 =	vand.u32 $0x3FF0, v27;
	v27 =	vadd.s32 v27, v28;
	v28 =	vsel vm15, $0x10, v5  }
.Ltmp8:
0x11a: {  	v29 =	vand.u32 $0x3FF0, v7;
	v33 =	vand.u32 $0x3FF0, v27;
	v7 =	vadd.s32 v27, v28;
	(pc) =	sbr.rel @p1 .LBB2_16-.Ltmp8, $4  }
0x11b: {  	v38 =	vand.u32 $0x3FF0, v31;
	v39 =	vand.u32 $0x3FF0, v32;
	v28 =	vand.u32 $0x3FF0, v25  }
0x11c: {  	v26 =	vand.u32 $0x3FF0, v26;
	v36 =	vand.u32 $0x3FF0, v35;
	v37 =	vand.u32 $0x3FF0, v34  }
0x11d: {  	v35 =	vand.u32 $0x3FF0, v44;
	v34 =	vand.u32 $0x3FF0, v43;
	v25 =	vand.u32 $0x3FF0, v42  }
0x11e: {  	v31 =	vand.u32 $0x3FF0, v41;
	v32 =	vand.u32 $0x3FF0, v40;
	v27 =	vand.u32 $0x3FF0, v1  }
0x11f: {  	v1 =	vor.u32 v0, v30;
	v46 =	vor.u32 v0, v33;
	v47 =	vor.u32 v0, v38  }
0x120: {  	v48 =	vor.u32 v0, v39;
	v29 =	vor.u32 v0, v29;
	v36 =	vor.u32 v0, v36  }
0x121: {  	v37 =	vor.u32 v0, v37;
	v28 =	vor.u32 v0, v28;
	v1 =	vsel vm14, v1, v4  }
0x122: {  	v34 =	vor.u32 v0, v34;
	v35 =	vor.u32 v0, v35;
	v29 =	vsel vm13, v29, v4  }
0x123: {  	v26 =	vor.u32 v0, v26;
	v32 =	vor.u32 v0, v32;
	v38 =	vsel vm12, v48, v4  }
0x124: {  	v31 =	vor.u32 v0, v31;
	v25 =	vor.u32 v0, v25;
	v33 =	vsel vm11, v47, v4  }
0x125: {  	v27 =	vor.u32 v0, v27;
	v17 =	vsel vm14, v17, v3;
	v30 =	vsel vm15, v46, v4  }
0x126: {  	v12 =	vsel vm13, v12, v3;
	v28 =	vsel vm10, v28, v4;
	[tilespmem:v1+s1+$0x0] =	vst.idx.msk $0xffff, v17  }
0x127: {  	v10 =	vsel vm12, v10, v3;
	v49 =	vsel vm9, v37, v4;
	[tilespmem:v29+s1+$0x0] =	vst.idx.msk $0xffff, v12  }
0x128: {  	v51 =	vsel vm11, v18, v3;
	v50 =	vsel vm7, v26, v4;
	[tilespmem:v38+s1+$0x0] =	vst.idx.msk $0xffff, v10  }
0x129: {  	v52 =	vsel vm6, v35, v4;
	v1 =	vsel vm15, v9, v3;
	[tilespmem:v33+s1+$0x0] =	vst.idx.msk $0xffff, v51  }
0x12a: {  	v14 =	vsel vm10, v14, v3;
	[tilespmem:v30+s1+$0x0] =	vst.idx.msk $0xffff, v1;
	v1 =	vsel vm8, v36, v4  }
0x12b: {  	v11 =	vsel vm9, v11, v3;
	v53 =	vsel vm5, v34, v4;
	[tilespmem:v28+s1+$0x0] =	vst.idx.msk $0xffff, v14  }
0x12c: {  	v57 =	vsel vm7, v16, v3;
	v54 =	vsel vm4, v25, v4;
	[tilespmem:v49+s1+$0x0] =	vst.idx.msk $0xffff, v11  }
0x12d: {  	v13 =	vsel vm6, v13, v3;
	v56 =	vsel vm3, v31, v4;
	[tilespmem:v50+s1+$0x0] =	vst.idx.msk $0xffff, v57  }
0x12e: {  	v55 =	vsel vm8, v20, v3;
	v58 =	vsel vm1, v27, v4;
	[tilespmem:v52+s1+$0x0] =	vst.idx.msk $0xffff, v13  }
0x12f: {  	v59 =	vsel vm5, v21, v3;
	[tilespmem:v1+s1+$0x0] =	vst.idx.msk $0xffff, v55;
	v1 =	vsel vm2, v32, v4  }
0x130: {  	v8 =	vsel vm0, v8, v4;
	v60 =	vsel vm4, v19, v3;
	[tilespmem:v53+s1+$0x0] =	vst.idx.msk $0xffff, v59  }
0x131: {  	v61 =	vsel vm3, v23, v3;
	[tilespmem:v54+s1+$0x0] =	vst.idx.msk $0xffff, v60  }
0x132: {  	v63 =	vsel vm1, v22, v3;
	[tilespmem:v56+s1+$0x0] =	vst.idx.msk $0xffff, v61  }
0x133: {  	v62 =	vsel vm2, v24, v3;
	[tilespmem:v58+s1+$0x0] =	vst.idx.msk $0xffff, v63  }
0x134: {  	[tilespmem:v1+s1+$0x0] =	vst.idx.msk $0xffff, v62;
	v1 =	vsel vm0, v15, v3  }
0x135: {  	[tilespmem:v8+s1+$0x0] =	vst.idx.msk $0xffff, v1  }
0x136: {  	v1 =	vld [tilespmem:$0x4000];
	_ =	sdelay $0x4  }
0x137: {  	(v2sf) =	vpush v1, $0x0  }
0x138: {  	(v2sf) =	vpush v1, $0x1;
	_ =	sdelay $0x1  }
0x139: {  	(v2sf) =	vpush v1, $0x2;
	_ =	sdelay $0x1  }
0x13a: {  	(v2sf) =	vpush v1, $0x3;
	_ =	sdelay $0x1  }
0x13b: {  	(v2sf) =	vpush v1, $0x4;
	_ =	sdelay $0x1  }
0x13c: {  	(v2sf) =	vpush v1, $0x5;
	_ =	sdelay $0x1  }
0x13d: {  	(v2sf) =	vpush v1, $0x6;
	_ =	sdelay $0x1  }
0x13e: {  	(v2sf) =	vpush v1, $0x7;
	_ =	sdelay $0x1  }
0x13f: {  	s25 =	spop (v2sf);
	(v2sf) =	vpush v1, $0x8  }
0x140: {  	s26 =	spop (v2sf)  }
0x141: {  	(v2sf) =	vpush v1, $0x9;
	p1 =	slt.s32 s25, s26  }
0x142: {  	s26 =	smov.u32 @p1 s25;
	s25 =	spop (v2sf)  }
0x143: {  	(v2sf) =	vpush v1, $0xA;
	p1 =	slt.s32 s26, s25  }
0x144: {  	s25 =	smov.u32 @p1 s26;
	s26 =	spop (v2sf)  }
0x145: {  	(v2sf) =	vpush v1, $0xB;
	p1 =	slt.s32 s25, s26  }
0x146: {  	s26 =	smov.u32 @p1 s25;
	s25 =	spop (v2sf)  }
0x147: {  	(v2sf) =	vpush v1, $0xC;
	p1 =	slt.s32 s26, s25  }
0x148: {  	s25 =	smov.u32 @p1 s26;
	s26 =	spop (v2sf)  }
0x149: {  	(v2sf) =	vpush v1, $0xD;
	p1 =	slt.s32 s25, s26  }
0x14a: {  	s26 =	smov.u32 @p1 s25;
	s25 =	spop (v2sf)  }
0x14b: {  	(v2sf) =	vpush v1, $0xE;
	p1 =	slt.s32 s26, s25  }
0x14c: {  	s25 =	smov.u32 @p1 s26;
	s26 =	spop (v2sf)  }
0x14d: {  	(v2sf) =	vpush v1, $0xF;
	p1 =	slt.s32 s25, s26  }
0x14e: {  	s26 =	smov.u32 @p1 s25;
	s25 =	spop (v2sf)  }
0x14f: {  	p1 =	slt.s32 s26, s25  }
0x150: {  	s25 =	smov.u32 @p1 s26;
	s26 =	spop (v2sf)  }
0x151: {  	p1 =	slt.s32 s25, s26  }
0x152: {  	s26 =	smov.u32 @p1 s25;
	s25 =	spop (v2sf)  }
0x153: {  	p1 =	slt.s32 s26, s25  }
0x154: {  	s25 =	smov.u32 @p1 s26;
	s26 =	spop (v2sf)  }
0x155: {  	p1 =	slt.s32 s25, s26  }
0x156: {  	s26 =	smov.u32 @p1 s25;
	s25 =	spop (v2sf)  }
0x157: {  	p1 =	slt.s32 s26, s25  }
0x158: {  	s25 =	smov.u32 @p1 s26;
	s26 =	spop (v2sf)  }
0x159: {  	p1 =	slt.s32 s25, s26  }
0x15a: {  	s26 =	smov.u32 @p1 s25;
	s25 =	spop (v2sf)  }
0x15b: {  	p1 =	slt.s32 s26, s25  }
0x15c: {  	s25 =	smov.u32 @p1 s26;
	s26 =	spop (v2sf)  }
0x15d: {  	p1 =	slt.s32 s25, s26  }
0x15e: {  	s26 =	smov.u32 @p1 s25  }
0x15f: {  	p1 =	sgt.s32 s26, $0xF9FFF  }
.Ltmp9:
0x160: {  	_ = 	snop;
	(pc) =	sbr.rel @p1 .LBB2_21-.Ltmp9, $1  }
0x161: {  	_ =	sdelay $0x3  }
0x162: {  	[spmem:s7] =	stream.indirect.scatter.add.f32 [tilespmem:s16], [sflag:$0x3], $0x1, s1, s10, $0xb8;
	[tilespmem:$0x1ED08] =	vst v63  }
0x163: {  	_ =	swait.ge [sflag:s2], $0x4010  }
0x164: {  	[sflag:s2] =	ssyncset.done $0x0  }
0x165: {  	s25 =	simm.s32 $0x4040;
	[sflag:s2] =	ssyncadd.s32 $0xFFFFBFF0  }
0x166: {  	[tilespmem:s25+$0xFFFFFFC0] =	vst v3  }
0x167: {  	[tilespmem:s25+$0x30] =	vst v3  }
0x168: {  	[tilespmem:s25+$0x20] =	vst v3  }
0x169: {  	[tilespmem:s25+$0x10] =	vst v3  }
0x16a: {  	[tilespmem:s25+$0x0] =	vst v3  }
0x16b: {  	[tilespmem:s25+$0xFFFFFFF0] =	vst v3  }
0x16c: {  	s26 =	simm.s32 $0x0;
	[tilespmem:s25+$0xFFFFFFE0] =	vst v3  }
.LBB2_19:
0x16d: {  	s26 =	sadd.s32 $0x8, s26;
	[tilespmem:s25+$0xFFFFFFD0] =	vst v3;
	s25 =	sadd.s32 $0x80, s25  }
0x16e: {  	[tilespmem:s25+$0xFFFFFFC0] =	vst v3;
	p1 =	slt.u32 s26, $0x3F8  }
0x16f: {  	[tilespmem:s25+$0x30] =	vst v3  }
.Ltmp10:
0x170: {  	[tilespmem:s25+$0x20] =	vst v3;
	(pc) =	sbr.rel @p1 .LBB2_19-.Ltmp10, $4  }
0x171: {  	[tilespmem:s25+$0x10] =	vst v3  }
0x172: {  	[tilespmem:s25+$0x0] =	vst v3  }
0x173: {  	[tilespmem:s25+$0xFFFFFFF0] =	vst v3  }
0x174: {  	[tilespmem:s25+$0xFFFFFFE0] =	vst v3  }
0x175: {  	[tilespmem:s25+$0xFFFFFFD0] =	vst v3  }
0x176: {  	[tilespmem:$0x8000] =	vst v3  }
.LBB2_21:
0x177: {  	p1 =	seq.s32 s23, $0x3F  }
.Ltmp11:
0x178: {  	_ = 	snop;
	(pc) =	sbr.rel @p1 .LBB2_25-.Ltmp11, $1  }
0x179: {  	_ =	sdelay $0x3  }
0x17a: {  	s24 =	sadd.s32 s24, s14  }
0x17b: {  	s24 =	sshrl.u32 s24, $0x3  }
0x17c: {  	s25 =	simm.s32 $0x0;
	s24 =	sadd.s32 s0, s24  }
0x17d: {  	s26 =	simm.s32 $0x10;
	s28 =	simm.s32 $0x100;
	s29 =	sadd.s32 $0x0, s24  }
.LBB2_23:
0x17e: {  	[tilespmem:s25], [sflag:$0x1] =	stream.linear.gather [hbm4b:s29+s8], $0x80, $0x38;
	[tilespmem:$0x1ED08] =	vst v63  }
0x17f: {  	s29 =	smov.u32 s26;
	s25 =	smov.u32 s28;
	p1 =	sne.s32 s26, $0x3F0  }
.Ltmp12:
0x180: {  	s26 =	sadd.s32 $0x10, s26;
	(pc) =	sbr.rel @p1 .LBB2_23-.Ltmp12, $2  }
0x181: {  	_ =	sdelay $0x2  }
0x182: {  	s28 =	sadd.s32 $0x100, s28;
	s29 =	sadd.s32 s29, s24  }
0x183: {  	[tilespmem:s25], [sflag:$0x1] =	stream.linear.gather [hbm4b:s29+s8], $0x80, $0x38;
	[tilespmem:$0x1ED08] =	vst v63  }
.LBB2_25:
0x184: {  	_ =	swait.ge [sflag:s17], $0x2000  }
0x185: {  	[sflag:s17] =	ssyncset.done $0x0  }
0x186: {  	s24 =	simm.s32 $0x180;
	[sflag:s17] =	ssyncadd.s32 $0xFFFFE000  }
0x187: {  	v1 =	vld [tilespmem:s24+$0x70]  }
0x188: {  	v11 =	vld [tilespmem:s24+$0x60]  }
0x189: {  	v12 =	vld [tilespmem:s24+$0x50]  }
0x18a: {  	v10 =	vld [tilespmem:s24+$0x40]  }
0x18b: {  	v13 =	vld [tilespmem:s24+$0x30]  }
0x18c: {  	v14 =	vld [tilespmem:s24+$0x20]  }
0x18d: {  	v15 =	vld [tilespmem:s24+$0x10]  }
0x18e: {  	v19 =	vld [tilespmem:s24+$0x0]  }
0x18f: {  	v16 =	vld [tilespmem:s24+$0xFFFFFF70]  }
0x190: {  	v20 =	vld [tilespmem:s24+$0xFFFFFF60]  }
0x191: {  	v21 =	vld [tilespmem:s24+$0xFFFFFF50]  }
0x192: {  	v22 =	vld [tilespmem:s24+$0xFFFFFF40]  }
0x193: {  	v23 =	vld [tilespmem:s24+$0xFFFFFF30]  }
0x194: {  	v8 =	vand.u32 $0x3FF0, v7;
	v24 =	vld [tilespmem:s24+$0xFFFFFF00]  }
0x195: {  	v8 =	vor.u32 v0, v8;
	v25 =	vld [tilespmem:s24+$0xFFFFFF10];
	v9 =	vsub.s32 v1, v6  }
0x196: {  	v10 =	vsub.s32 v10, v6;
	v12 =	vsub.s32 v12, v6;
	v17 =	vsub.s32 v11, v6  }
0x197: {  	v1 =	vld [tilespmem:s24+$0xFFFFFF20];
	v11 =	vsub.s32 v15, v6;
	v14 =	vsub.s32 v14, v6;
	v18 =	vsub.s32 v13, v6  }
0x198: {  	v13 =	vsub.s32 v20, v6;
	v16 =	vsub.s32 v16, v6;
	v20 =	vsub.s32 v19, v6  }
0x199: {  	v15 =	vsub.s32 v24, v6;
	v19 =	vsub.s32 v22, v6;
	v21 =	vsub.s32 v21, v6  }
0x19a: {  	v22 =	vsub.s32 v25, v6;
	v23 =	vsub.s32 v23, v6;
	vm0 =	vlt.u32 v15, $0xFA000  }
0x19b: {  	vm1 =	vlt.u32 v22, $0xFA000;
	vm3 =	vlt.u32 v23, $0xFA000;
	vm4 =	vlt.u32 v19, $0xFA000  }
0x19c: {  	vm5 =	vlt.u32 v21, $0xFA000;
	v25 =	vsel vm0, $0x10, v5;
	v24 =	vsub.s32 v1, v6  }
0x19d: {  	v1 =	vadd.s32 v7, v25;
	v7 =	vsel vm1, $0x10, v5;
	vm2 =	vlt.u32 v24, $0xFA000  }
0x19e: {  	vm6 =	vlt.u32 v13, $0xFA000;
	v31 =	vadd.s32 v1, v7;
	v7 =	vsel vm2, $0x10, v5  }
0x19f: {  	vm7 =	vlt.u32 v16, $0xFA000;
	v40 =	vadd.s32 v31, v7;
	v7 =	vsel vm3, $0x10, v5  }
0x1a0: {  	vm8 =	vlt.u32 v20, $0xFA000;
	v25 =	vadd.s32 v40, v7;
	v7 =	vsel vm4, $0x10, v5  }
0x1a1: {  	vm9 =	vlt.u32 v11, $0xFA000;
	v27 =	vadd.s32 v25, v7;
	v7 =	vsel vm5, $0x10, v5  }
0x1a2: {  	vm10 =	vlt.u32 v14, $0xFA000;
	v34 =	vadd.s32 v27, v7;
	v7 =	vsel vm6, $0x10, v5  }
0x1a3: {  	vm11 =	vlt.u32 v18, $0xFA000;
	v26 =	vadd.s32 v34, v7;
	v7 =	vsel vm7, $0x10, v5  }
0x1a4: {  	vm12 =	vlt.u32 v10, $0xFA000;
	v33 =	vadd.s32 v26, v7;
	v7 =	vsel vm8, $0x10, v5  }
0x1a5: {  	vm13 =	vlt.u32 v12, $0xFA000;
	v35 =	vadd.s32 v33, v7;
	v7 =	vsel vm9, $0x10, v5  }
0x1a6: {  	vm14 =	vlt.u32 v17, $0xFA000;
	v28 =	vadd.s32 v35, v7;
	v7 =	vsel vm10, $0x10, v5  }
0x1a7: {  	vm15 =	vlt.u32 v9, $0xFA000;
	v36 =	vadd.s32 v28, v7;
	v7 =	vsel vm11, $0x10, v5  }
0x1a8: {  	v29 =	vsel vm13, $0x10, v5;
	v37 =	vadd.s32 v36, v7;
	v7 =	vsel vm12, $0x10, v5  }
0x1a9: {  	v32 =	vsel vm14, $0x10, v5;
	v39 =	vsel vm15, $0x10, v5;
	v7 =	vadd.s32 v37, v7  }
0x1aa: {  	v25 =	vand.u32 $0x3FF0, v25;
	v34 =	vand.u32 $0x3FF0, v34;
	v29 =	vadd.s32 v7, v29  }
0x1ab: {  	v26 =	vand.u32 $0x3FF0, v26;
	v28 =	vand.u32 $0x3FF0, v28;
	v38 =	vadd.s32 v29, v32  }
0x1ac: {  	v30 =	vand.u32 $0x3FF0, v29;
	v29 =	vand.u32 $0x3FF0, v7;
	v32 =	vand.u32 $0x3FF0, v38  }
0x1ad: {  	v7 =	vadd.s32 v38, v39;
	v38 =	vand.u32 $0x3FF0, v36;
	v39 =	vand.u32 $0x3FF0, v37  }
0x1ae: {  	v36 =	vand.u32 $0x3FF0, v33;
	v37 =	vand.u32 $0x3FF0, v35;
	v33 =	vand.u32 $0x3FF0, v27  }
0x1af: {  	s23 =	sadd.s32 $0x1, s23;
	s25 =	simm.s32 $0x0;
	v27 =	vand.u32 $0x3FF0, v1;
	v35 =	vand.u32 $0x3FF0, v31;
	v31 =	vand.u32 $0x3FF0, v40  }
.LBB2_26:
0x1b0: {  	v1 =	vand.u32 $0x3FF0, v7;
	v30 =	vor.u32 v0, v30;
	v32 =	vor.u32 v0, v32  }
0x1b1: {  	v38 =	vor.u32 v0, v38;
	v39 =	vor.u32 v0, v39;
	v29 =	vor.u32 v0, v29;
	s24 =	sadd.s32 $0x200, s24  }
0x1b2: {  	v36 =	vor.u32 v0, v36;
	v37 =	vor.u32 v0, v37;
	v28 =	vor.u32 v0, v28;
	v40 =	vld [tilespmem:s24+$0x70]  }
0x1b3: {  	v33 =	vor.u32 v0, v33;
	v34 =	vor.u32 v0, v34;
	v26 =	vor.u32 v0, v26;
	v41 =	vld [tilespmem:s24+$0x60]  }
0x1b4: {  	v35 =	vor.u32 v0, v35;
	v31 =	vor.u32 v0, v31;
	v25 =	vor.u32 v0, v25;
	v42 =	vld [tilespmem:s24+$0x50]  }
0x1b5: {  	v27 =	vor.u32 v0, v27;
	v1 =	vor.u32 v0, v1;
	v32 =	vsel vm15, v32, v4;
	v43 =	vld [tilespmem:s24+$0x40]  }
0x1b6: {  	v39 =	vsel vm12, v39, v4;
	v29 =	vsel vm13, v29, v4;
	v30 =	vsel vm14, v30, v4;
	v44 =	vld [tilespmem:s24+$0x30]  }
0x1b7: {  	v37 =	vsel vm9, v37, v4;
	v28 =	vsel vm10, v28, v4;
	v38 =	vsel vm11, v38, v4;
	v45 =	vld [tilespmem:s24+$0x20]  }
0x1b8: {  	s25 =	sadd.s32 $0x10, s25;
	v34 =	vsel vm6, v34, v4;
	v26 =	vsel vm7, v26, v4;
	v36 =	vsel vm8, v36, v4;
	v46 =	vld [tilespmem:s24+$0x10]  }
0x1b9: {  	p1 =	slt.u32 s25, $0x1F0;
	v31 =	vsel vm3, v31, v4;
	v25 =	vsel vm4, v25, v4;
	v33 =	vsel vm5, v33, v4;
	v47 =	vld [tilespmem:s24+$0x0]  }
0x1ba: {  	v49 =	vsel vm0, v8, v4;
	v27 =	vsel vm1, v27, v4;
	v35 =	vsel vm2, v35, v4;
	v8 =	vmovc v1;
	v48 =	vld [tilespmem:s24+$0xFFFFFF70]  }
0x1bb: {  	v50 =	vsel vm0, v15, v3;
	v51 =	vsel vm1, v22, v3;
	v52 =	vsel vm2, v24, v3;
	v1 =	vld [tilespmem:s24+$0xFFFFFF60]  }
0x1bc: {  	v53 =	vsel vm3, v23, v3;
	v54 =	vsel vm4, v19, v3;
	v55 =	vsel vm5, v21, v3;
	v22 =	vld [tilespmem:s24+$0xFFFFFF50]  }
0x1bd: {  	v56 =	vsel vm6, v13, v3;
	v57 =	vsel vm7, v16, v3;
	v58 =	vsel vm8, v20, v3;
	v19 =	vld [tilespmem:s24+$0xFFFFFF40]  }
0x1be: {  	v59 =	vsel vm9, v11, v3;
	v60 =	vsel vm10, v14, v3;
	v61 =	vsel vm11, v18, v3;
	v23 =	vld [tilespmem:s24+$0xFFFFFF30]  }
0x1bf: {  	v62 =	vsel vm12, v10, v3;
	v63 =	vsel vm13, v12, v3;
	v10 =	vsel vm14, v17, v3;
	v15 =	vld [tilespmem:s24+$0xFFFFFF00]  }
0x1c0: {  	v24 =	vld [tilespmem:s24+$0xFFFFFF10];
	[tilespmem:v30+s1+$0x0] =	vst.idx.msk $0xffff, v10;
	v30 =	vsel vm15, v9, v3;
	v9 =	vsub.s32 v40, v6  }
0x1c1: {  	v17 =	vsub.s32 v41, v6;
	v12 =	vsub.s32 v42, v6;
	v10 =	vsub.s32 v43, v6;
	v40 =	vld [tilespmem:s24+$0xFFFFFF20]  }
0x1c2: {  	v18 =	vsub.s32 v44, v6;
	v14 =	vsub.s32 v45, v6;
	v11 =	vsub.s32 v46, v6  }
0x1c3: {  	v20 =	vsub.s32 v47, v6;
	v16 =	vsub.s32 v48, v6;
	v13 =	vsub.s32 v1, v6  }
0x1c4: {  	v21 =	vsub.s32 v22, v6;
	v19 =	vsub.s32 v19, v6;
	v15 =	vsub.s32 v15, v6  }
0x1c5: {  	v23 =	vsub.s32 v23, v6;
	vm0 =	vlt.u32 v15, $0xFA000;
	v22 =	vsub.s32 v24, v6;
	[tilespmem:v32+s1+$0x0] =	vst.idx.msk $0xffff, v30  }
0x1c6: {  	v1 =	vsel vm0, $0x10, v5;
	vm1 =	vlt.u32 v22, $0xFA000;
	v24 =	vsub.s32 v40, v6;
	[tilespmem:v29+s1+$0x0] =	vst.idx.msk $0xffff, v63  }
0x1c7: {  	v1 =	vadd.s32 v7, v1;
	v7 =	vsel vm1, $0x10, v5;
	vm2 =	vlt.u32 v24, $0xFA000;
	[tilespmem:v39+s1+$0x0] =	vst.idx.msk $0xffff, v62  }
0x1c8: {  	vm3 =	vlt.u32 v23, $0xFA000;
	v40 =	vadd.s32 v1, v7;
	v7 =	vsel vm2, $0x10, v5;
	[tilespmem:v38+s1+$0x0] =	vst.idx.msk $0xffff, v61  }
0x1c9: {  	vm4 =	vlt.u32 v19, $0xFA000;
	v41 =	vadd.s32 v40, v7;
	v7 =	vsel vm3, $0x10, v5;
	[tilespmem:v28+s1+$0x0] =	vst.idx.msk $0xffff, v60  }
0x1ca: {  	vm5 =	vlt.u32 v21, $0xFA000;
	v42 =	vadd.s32 v41, v7;
	v7 =	vsel vm4, $0x10, v5;
	[tilespmem:v37+s1+$0x0] =	vst.idx.msk $0xffff, v59  }
0x1cb: {  	vm6 =	vlt.u32 v13, $0xFA000;
	v43 =	vadd.s32 v42, v7;
	v7 =	vsel vm5, $0x10, v5;
	[tilespmem:v36+s1+$0x0] =	vst.idx.msk $0xffff, v58  }
0x1cc: {  	vm7 =	vlt.u32 v16, $0xFA000;
	v44 =	vadd.s32 v43, v7;
	v7 =	vsel vm6, $0x10, v5;
	[tilespmem:v26+s1+$0x0] =	vst.idx.msk $0xffff, v57  }
0x1cd: {  	vm8 =	vlt.u32 v20, $0xFA000;
	v26 =	vadd.s32 v44, v7;
	v7 =	vsel vm7, $0x10, v5;
	[tilespmem:v34+s1+$0x0] =	vst.idx.msk $0xffff, v56  }
0x1ce: {  	vm9 =	vlt.u32 v11, $0xFA000;
	v34 =	vadd.s32 v26, v7;
	v7 =	vsel vm8, $0x10, v5;
	[tilespmem:v33+s1+$0x0] =	vst.idx.msk $0xffff, v55  }
0x1cf: {  	vm10 =	vlt.u32 v14, $0xFA000;
	v33 =	vadd.s32 v34, v7;
	v7 =	vsel vm9, $0x10, v5;
	[tilespmem:v25+s1+$0x0] =	vst.idx.msk $0xffff, v54  }
0x1d0: {  	vm11 =	vlt.u32 v18, $0xFA000;
	v25 =	vadd.s32 v33, v7;
	v7 =	vsel vm10, $0x10, v5;
	[tilespmem:v31+s1+$0x0] =	vst.idx.msk $0xffff, v53  }
0x1d1: {  	vm12 =	vlt.u32 v10, $0xFA000;
	v31 =	vadd.s32 v25, v7;
	v7 =	vsel vm11, $0x10, v5;
	[tilespmem:v35+s1+$0x0] =	vst.idx.msk $0xffff, v52  }
0x1d2: {  	vm13 =	vlt.u32 v12, $0xFA000;
	v35 =	vadd.s32 v31, v7;
	v7 =	vsel vm12, $0x10, v5;
	[tilespmem:v27+s1+$0x0] =	vst.idx.msk $0xffff, v51  }
0x1d3: {  	vm14 =	vlt.u32 v17, $0xFA000;
	v27 =	vsel vm13, $0x10, v5;
	v7 =	vadd.s32 v35, v7;
	[tilespmem:v49+s1+$0x0] =	vst.idx.msk $0xffff, v50  }
0x1d4: {  	vm15 =	vlt.u32 v9, $0xFA000;
	v28 =	vsel vm14, $0x10, v5;
	v27 =	vadd.s32 v7, v27  }
0x1d5: {  	v30 =	vand.u32 $0x3FF0, v27;
	v27 =	vadd.s32 v27, v28;
	v28 =	vsel vm15, $0x10, v5  }
.Ltmp13:
0x1d6: {  	v29 =	vand.u32 $0x3FF0, v7;
	v32 =	vand.u32 $0x3FF0, v27;
	v7 =	vadd.s32 v27, v28;
	(pc) =	sbr.rel @p1 .LBB2_26-.Ltmp13, $4  }
0x1d7: {  	v38 =	vand.u32 $0x3FF0, v31;
	v39 =	vand.u32 $0x3FF0, v35;
	v28 =	vand.u32 $0x3FF0, v25  }
0x1d8: {  	v26 =	vand.u32 $0x3FF0, v26;
	v36 =	vand.u32 $0x3FF0, v34;
	v37 =	vand.u32 $0x3FF0, v33  }
0x1d9: {  	v34 =	vand.u32 $0x3FF0, v44;
	v33 =	vand.u32 $0x3FF0, v43;
	v25 =	vand.u32 $0x3FF0, v42  }
0x1da: {  	v31 =	vand.u32 $0x3FF0, v41;
	v35 =	vand.u32 $0x3FF0, v40;
	v27 =	vand.u32 $0x3FF0, v1  }
0x1db: {  	v1 =	vor.u32 v0, v30;
	v46 =	vor.u32 v0, v32;
	v47 =	vor.u32 v0, v38  }
0x1dc: {  	v48 =	vor.u32 v0, v39;
	v29 =	vor.u32 v0, v29;
	v36 =	vor.u32 v0, v36  }
0x1dd: {  	v37 =	vor.u32 v0, v37;
	v28 =	vor.u32 v0, v28;
	v1 =	vsel vm14, v1, v4  }
0x1de: {  	v33 =	vor.u32 v0, v33;
	v34 =	vor.u32 v0, v34;
	v29 =	vsel vm13, v29, v4  }
0x1df: {  	v26 =	vor.u32 v0, v26;
	v35 =	vor.u32 v0, v35;
	v38 =	vsel vm12, v48, v4  }
0x1e0: {  	v31 =	vor.u32 v0, v31;
	v25 =	vor.u32 v0, v25;
	v32 =	vsel vm11, v47, v4  }
0x1e1: {  	v27 =	vor.u32 v0, v27;
	v17 =	vsel vm14, v17, v3;
	v30 =	vsel vm15, v46, v4  }
0x1e2: {  	v12 =	vsel vm13, v12, v3;
	v28 =	vsel vm10, v28, v4;
	[tilespmem:v1+s1+$0x0] =	vst.idx.msk $0xffff, v17  }
0x1e3: {  	v10 =	vsel vm12, v10, v3;
	v49 =	vsel vm9, v37, v4;
	[tilespmem:v29+s1+$0x0] =	vst.idx.msk $0xffff, v12  }
0x1e4: {  	v51 =	vsel vm11, v18, v3;
	v50 =	vsel vm7, v26, v4;
	[tilespmem:v38+s1+$0x0] =	vst.idx.msk $0xffff, v10  }
0x1e5: {  	v52 =	vsel vm6, v34, v4;
	v1 =	vsel vm15, v9, v3;
	[tilespmem:v32+s1+$0x0] =	vst.idx.msk $0xffff, v51  }
0x1e6: {  	v14 =	vsel vm10, v14, v3;
	[tilespmem:v30+s1+$0x0] =	vst.idx.msk $0xffff, v1;
	v1 =	vsel vm8, v36, v4  }
0x1e7: {  	v11 =	vsel vm9, v11, v3;
	v53 =	vsel vm5, v33, v4;
	[tilespmem:v28+s1+$0x0] =	vst.idx.msk $0xffff, v14  }
0x1e8: {  	v57 =	vsel vm7, v16, v3;
	v54 =	vsel vm4, v25, v4;
	[tilespmem:v49+s1+$0x0] =	vst.idx.msk $0xffff, v11  }
0x1e9: {  	v13 =	vsel vm6, v13, v3;
	v56 =	vsel vm3, v31, v4;
	[tilespmem:v50+s1+$0x0] =	vst.idx.msk $0xffff, v57  }
0x1ea: {  	v55 =	vsel vm8, v20, v3;
	v58 =	vsel vm1, v27, v4;
	[tilespmem:v52+s1+$0x0] =	vst.idx.msk $0xffff, v13  }
0x1eb: {  	v59 =	vsel vm5, v21, v3;
	[tilespmem:v1+s1+$0x0] =	vst.idx.msk $0xffff, v55;
	v1 =	vsel vm2, v35, v4  }
0x1ec: {  	v8 =	vsel vm0, v8, v4;
	v60 =	vsel vm4, v19, v3;
	[tilespmem:v53+s1+$0x0] =	vst.idx.msk $0xffff, v59  }
0x1ed: {  	v61 =	vsel vm3, v23, v3;
	[tilespmem:v54+s1+$0x0] =	vst.idx.msk $0xffff, v60  }
0x1ee: {  	v63 =	vsel vm1, v22, v3;
	[tilespmem:v56+s1+$0x0] =	vst.idx.msk $0xffff, v61  }
0x1ef: {  	v62 =	vsel vm2, v24, v3;
	[tilespmem:v58+s1+$0x0] =	vst.idx.msk $0xffff, v63  }
0x1f0: {  	[tilespmem:v1+s1+$0x0] =	vst.idx.msk $0xffff, v62;
	v1 =	vsel vm0, v15, v3  }
0x1f1: {  	[tilespmem:v8+s1+$0x0] =	vst.idx.msk $0xffff, v1  }
0x1f2: {  	v1 =	vld [tilespmem:$0x4000];
	_ =	sdelay $0x4  }
0x1f3: {  	(v2sf) =	vpush v1, $0x0  }
0x1f4: {  	(v2sf) =	vpush v1, $0x1;
	_ =	sdelay $0x1  }
0x1f5: {  	(v2sf) =	vpush v1, $0x2;
	_ =	sdelay $0x1  }
0x1f6: {  	(v2sf) =	vpush v1, $0x3;
	_ =	sdelay $0x1  }
0x1f7: {  	(v2sf) =	vpush v1, $0x4;
	_ =	sdelay $0x1  }
0x1f8: {  	(v2sf) =	vpush v1, $0x5;
	_ =	sdelay $0x1  }
0x1f9: {  	(v2sf) =	vpush v1, $0x6;
	_ =	sdelay $0x1  }
0x1fa: {  	(v2sf) =	vpush v1, $0x7;
	_ =	sdelay $0x1  }
0x1fb: {  	s24 =	spop (v2sf);
	(v2sf) =	vpush v1, $0x8  }
0x1fc: {  	s25 =	spop (v2sf)  }
0x1fd: {  	(v2sf) =	vpush v1, $0x9;
	p1 =	slt.s32 s24, s25  }
0x1fe: {  	s25 =	smov.u32 @p1 s24;
	s24 =	spop (v2sf)  }
0x1ff: {  	(v2sf) =	vpush v1, $0xA;
	p1 =	slt.s32 s25, s24  }
0x200: {  	s24 =	smov.u32 @p1 s25;
	s25 =	spop (v2sf)  }
0x201: {  	(v2sf) =	vpush v1, $0xB;
	p1 =	slt.s32 s24, s25  }
0x202: {  	s25 =	smov.u32 @p1 s24;
	s24 =	spop (v2sf)  }
0x203: {  	(v2sf) =	vpush v1, $0xC;
	p1 =	slt.s32 s25, s24  }
0x204: {  	s24 =	smov.u32 @p1 s25;
	s25 =	spop (v2sf)  }
0x205: {  	(v2sf) =	vpush v1, $0xD;
	p1 =	slt.s32 s24, s25  }
0x206: {  	s25 =	smov.u32 @p1 s24;
	s24 =	spop (v2sf)  }
0x207: {  	(v2sf) =	vpush v1, $0xE;
	p1 =	slt.s32 s25, s24  }
0x208: {  	s24 =	smov.u32 @p1 s25;
	s25 =	spop (v2sf)  }
0x209: {  	(v2sf) =	vpush v1, $0xF;
	p1 =	slt.s32 s24, s25  }
0x20a: {  	s25 =	smov.u32 @p1 s24;
	s24 =	spop (v2sf)  }
0x20b: {  	p1 =	slt.s32 s25, s24  }
0x20c: {  	s24 =	smov.u32 @p1 s25;
	s25 =	spop (v2sf)  }
0x20d: {  	p1 =	slt.s32 s24, s25  }
0x20e: {  	s25 =	smov.u32 @p1 s24;
	s24 =	spop (v2sf)  }
0x20f: {  	p1 =	slt.s32 s25, s24  }
0x210: {  	s24 =	smov.u32 @p1 s25;
	s25 =	spop (v2sf)  }
0x211: {  	p1 =	slt.s32 s24, s25  }
0x212: {  	s25 =	smov.u32 @p1 s24;
	s24 =	spop (v2sf)  }
0x213: {  	p1 =	slt.s32 s25, s24  }
0x214: {  	s24 =	smov.u32 @p1 s25;
	s25 =	spop (v2sf)  }
0x215: {  	p1 =	slt.s32 s24, s25  }
0x216: {  	s25 =	smov.u32 @p1 s24;
	s24 =	spop (v2sf)  }
0x217: {  	p1 =	slt.s32 s25, s24  }
0x218: {  	s24 =	smov.u32 @p1 s25;
	s25 =	spop (v2sf)  }
0x219: {  	p1 =	slt.s32 s24, s25  }
0x21a: {  	s25 =	smov.u32 @p1 s24  }
0x21b: {  	p1 =	sgt.s32 s25, $0xF9FFF  }
.Ltmp14:
0x21c: {  	_ = 	snop;
	(pc) =	sbr.rel @p1 .LBB2_31-.Ltmp14, $1  }
0x21d: {  	_ =	sdelay $0x3  }
0x21e: {  	[spmem:s7] =	stream.indirect.scatter.add.f32 [tilespmem:s16], [sflag:$0x3], $0x1, s1, s10, $0xb8;
	[tilespmem:$0x1ED08] =	vst v63  }
0x21f: {  	_ =	swait.ge [sflag:s2], $0x4010  }
0x220: {  	[sflag:s2] =	ssyncset.done $0x0  }
0x221: {  	s24 =	simm.s32 $0x4040;
	[sflag:s2] =	ssyncadd.s32 $0xFFFFBFF0  }
0x222: {  	[tilespmem:s24+$0xFFFFFFC0] =	vst v3  }
0x223: {  	[tilespmem:s24+$0x30] =	vst v3  }
0x224: {  	[tilespmem:s24+$0x20] =	vst v3  }
0x225: {  	[tilespmem:s24+$0x10] =	vst v3  }
0x226: {  	[tilespmem:s24+$0x0] =	vst v3  }
0x227: {  	[tilespmem:s24+$0xFFFFFFF0] =	vst v3  }
0x228: {  	s25 =	simm.s32 $0x0;
	[tilespmem:s24+$0xFFFFFFE0] =	vst v3  }
.LBB2_29:
0x229: {  	s25 =	sadd.s32 $0x8, s25;
	[tilespmem:s24+$0xFFFFFFD0] =	vst v3;
	s24 =	sadd.s32 $0x80, s24  }
0x22a: {  	[tilespmem:s24+$0xFFFFFFC0] =	vst v3;
	p1 =	slt.u32 s25, $0x3F8  }
0x22b: {  	[tilespmem:s24+$0x30] =	vst v3  }
.Ltmp15:
0x22c: {  	[tilespmem:s24+$0x20] =	vst v3;
	(pc) =	sbr.rel @p1 .LBB2_29-.Ltmp15, $4  }
0x22d: {  	[tilespmem:s24+$0x10] =	vst v3  }
0x22e: {  	[tilespmem:s24+$0x0] =	vst v3  }
0x22f: {  	[tilespmem:s24+$0xFFFFFFF0] =	vst v3  }
0x230: {  	[tilespmem:s24+$0xFFFFFFE0] =	vst v3  }
.Ltmp16:
0x231: {  	_ = 	snop;
	(pc) =	sbr.rel .LBB2_30-.Ltmp16, $1  }
0x232: {  	_ =	sdelay $0x3  }
.LBB2_32:
0x233: {  	[spmem:s7] =	stream.indirect.scatter.add.f32 [tilespmem:s16], [sflag:$0x3], $0x1, s1, s10, $0xb8;
	[tilespmem:$0x1ED08] =	vst v63  }
0x234: {  	_ =	swait.ge [sflag:s2], $0x4010  }
0x235: {  	[sflag:s2] =	ssyncset.done $0x0  }
0x236: {  	s23 =	simm.s32 $0x4040;
	[sflag:s2] =	ssyncadd.s32 $0xFFFFBFF0  }
0x237: {  	[tilespmem:s23+$0xFFFFFFC0] =	vst v3  }
0x238: {  	[tilespmem:s23+$0x30] =	vst v3  }
0x239: {  	[tilespmem:s23+$0x20] =	vst v3  }
0x23a: {  	[tilespmem:s23+$0x10] =	vst v3  }
0x23b: {  	[tilespmem:s23+$0x0] =	vst v3  }
0x23c: {  	[tilespmem:s23+$0xFFFFFFF0] =	vst v3  }
0x23d: {  	s24 =	simm.s32 $0x0;
	[tilespmem:s23+$0xFFFFFFE0] =	vst v3  }
.LBB2_33:
0x23e: {  	s24 =	sadd.s32 $0x8, s24;
	[tilespmem:s23+$0xFFFFFFD0] =	vst v3;
	s23 =	sadd.s32 $0x80, s23  }
0x23f: {  	[tilespmem:s23+$0xFFFFFFC0] =	vst v3;
	p1 =	slt.u32 s24, $0x3F8  }
0x240: {  	[tilespmem:s23+$0x30] =	vst v3  }
.Ltmp17:
0x241: {  	[tilespmem:s23+$0x20] =	vst v3;
	(pc) =	sbr.rel @p1 .LBB2_33-.Ltmp17, $4  }
0x242: {  	[tilespmem:s23+$0x10] =	vst v3  }
0x243: {  	[tilespmem:s23+$0x0] =	vst v3  }
0x244: {  	[tilespmem:s23+$0xFFFFFFF0] =	vst v3  }
0x245: {  	[tilespmem:s23+$0xFFFFFFE0] =	vst v3  }
0x246: {  	[tilespmem:s23+$0xFFFFFFD0] =	vst v3  }
0x247: {  	[tilespmem:$0x8000] =	vst v3  }
0x248: {  	[bflag:$0x0] =	sbarrier.arrive $0xFFFF  }
0x249: {  	v34 =	vld [tilespmem:$0xF100]  }
0x24a: {  	v35 =	vld [tilespmem:$0xF180]  }
0x24b: {  	v36 =	vld [tilespmem:$0xF200];
	_ =	sdelay $0x3  }
0x24c: {  	v7 =	vbroadcast v34, $0x0  }
0x24d: {  	v8 =	vbroadcast v35, $0x0;
	v9 =	vbroadcast v36, $0x0  }
0x24e: {  	v10 =	vbroadcast v34, $0x1;
	v11 =	vbroadcast v35, $0x1  }
0x24f: {  	v12 =	vbroadcast v36, $0x1;
	v13 =	vbroadcast v34, $0x2  }
0x250: {  	v14 =	vbroadcast v35, $0x2;
	v15 =	vbroadcast v36, $0x2  }
0x251: {  	v16 =	vbroadcast v34, $0x3;
	v17 =	vbroadcast v35, $0x3  }
0x252: {  	v18 =	vbroadcast v36, $0x3;
	v19 =	vbroadcast v34, $0x4  }
0x253: {  	v20 =	vbroadcast v35, $0x4;
	v21 =	vbroadcast v36, $0x4  }
0x254: {  	v1 =	vld [tilespmem:$0xF280];
	v22 =	vbroadcast v34, $0x5;
	v23 =	vbroadcast v35, $0x5  }
0x255: {  	v24 =	vbroadcast v36, $0x5;
	v25 =	vbroadcast v34, $0x6  }
0x256: {  	v26 =	vbroadcast v35, $0x6;
	v27 =	vbroadcast v36, $0x6  }
0x257: {  	v28 =	vbroadcast v34, $0x7;
	v29 =	vbroadcast v35, $0x7  }
0x258: {  	v30 =	vbroadcast v36, $0x7;
	v31 =	vbroadcast v34, $0x8  }
0x259: {  	v1 =	vadd.f32 $0.0e+00, v1;
	v32 =	vbroadcast v35, $0x8;
	v33 =	vbroadcast v36, $0x8  }
0x25a: {  	v34 =	vbroadcast v34, $0x9;
	v35 =	vbroadcast v35, $0x9  }
0x25b: {  	s23 =	simm.s32 $0x0;
	v36 =	vbroadcast v36, $0x9;
	v6 =	vbroadcast v1, $0x0  }
.LBB2_35:
0x25c: {  	s24 =	smul.u32 $0xFA0, s23;
	_ =	sdelay $0x1  }
0x25d: {  	s24 =	sadd.s32 s15, s24  }
0x25e: {  	s25 =	sadd.s32 s24, s7  }
0x25f: {  	[tilespmem:s18], [sflag:$0x3] =	stream.linear.gather [spmem:s25], $0xFA0, $0x38;
	[tilespmem:$0x1ED08] =	vst v63  }
0x260: {  	_ =	swait.ge [sflag:s2], $0xFA0  }
0x261: {  	[sflag:s2] =	ssyncset.done $0x0  }
0x262: {  	[sflag:s2] =	ssyncadd.s32 $0xFFFFF060  }
0x263: {  	[spmem:s25] =	stream.linear.scatter [tilespmem:s4], [sflag:$0x3], $0xFA0, $0x38;
	[tilespmem:$0x1ED08] =	vst v63  }
0x264: {  	_ =	swait.ge [sflag:s2], $0xFA0  }
0x265: {  	[sflag:s2] =	ssyncset.done $0x0  }
0x266: {  	s26 =	simm.s32 $0xC120;
	[sflag:s2] =	ssyncadd.s32 $0xFFFFF060  }
0x267: {  	v1 =	vld [tilespmem:s26+$0x10]  }
0x268: {  	v38 =	vld [tilespmem:s26+$0xFFFFFFF0]  }
0x269: {  	v37 =	vld [tilespmem:s26+$0x0]  }
0x26a: {  	v40 =	vld [tilespmem:s26+$0xFFFFFFE0];
	_ =	sdelay $0x1  }
0x26b: {  	v39 =	vmul.f32 v1, v7  }
0x26c: {  	v41 =	vmul.f32 v38, v7;
	v42 =	vmul.f32 v38, v10  }
0x26d: {  	v43 =	vmul.f32 v1, v10;
	v44 =	vmul.f32 v37, v7  }
0x26e: {  	v45 =	vmul.f32 v40, v7;
	v46 =	vmul.f32 v40, v10  }
0x26f: {  	v47 =	vmul.f32 v1, v13;
	v48 =	vmul.f32 v1, v16  }
0x270: {  	v49 =	vmul.f32 v37, v10;
	v50 =	vmul.f32 v1, v19  }
0x271: {  	v59 =	vmul.f32 v1, v22;
	v39 =	vadd.f32 v39, v8;
	v41 =	vadd.f32 v41, v8  }
0x272: {  	v62 =	vmul.f32 v1, v25;
	v43 =	vadd.f32 v43, v11;
	v45 =	vadd.f32 v45, v8  }
0x273: {  	v52 =	vmul.f32 v1, v28;
	v44 =	vadd.f32 v44, v8;
	v47 =	vadd.f32 v47, v14  }
0x274: {  	v55 =	vmul.f32 v1, v31;
	v48 =	vadd.f32 v48, v17;
	v58 =	vadd.f32 v50, v20  }
0x275: {  	v1 =	vmul.f32 v1, v34;
	v61 =	vadd.f32 v59, v23;
	v50 =	vadd.f32 v62, v26  }
0x276: {  	v51 =	vmul.f32 v37, v16;
	v46 =	vadd.f32 v46, v11;
	v42 =	vadd.f32 v42, v11  }
0x277: {  	v49 =	vadd.f32 v49, v11;
	v59 =	vmul.f32 v40, v13;
	v1 =	vadd.f32 v1, v35  }
0x278: {  	v62 =	vmul.f32 v37, v13;
	v51 =	vadd.f32 v51, v17;
	v39 =	vmax.f32 v39, $0.0e+00  }
0x279: {  	v43 =	vmax.f32 v43, $0.0e+00;
	v47 =	vmax.f32 v47, $0.0e+00;
	v45 =	vmax.f32 v45, $0.0e+00  }
0x27a: {  	v48 =	vmax.f32 v48, $0.0e+00;
	v41 =	vmax.f32 v41, $0.0e+00;
	v44 =	vmax.f32 v44, $0.0e+00  }
0x27b: {  	v54 =	vmax.f32 v50, $0.0e+00;
	v1 =	vmax.f32 v1, $0.0e+00;
	v39 =	vmul.f32 v39, v9  }
0x27c: {  	v42 =	vmax.f32 v42, $0.0e+00;
	v43 =	vmul.f32 v43, v12;
	v57 =	vmul.f32 v47, v15  }
0x27d: {  	v60 =	vmul.f32 v48, v18;
	v47 =	vmax.f32 v58, $0.0e+00;
	v56 =	vmul.f32 v54, v27  }
0x27e: {  	v48 =	vmax.f32 v61, $0.0e+00;
	v45 =	vmul.f32 v45, v9;
	v41 =	vmul.f32 v41, v9  }
0x27f: {  	v1 =	vmul.f32 v1, v36;
	v44 =	vmul.f32 v44, v9;
	v39 =	vadd.f32 v39, v6  }
0x280: {  	v54 =	vadd.f32 v59, v14;
	v42 =	vmul.f32 v42, v12;
	v63 =	vmul.f32 v47, v21  }
0x281: {  	v53 =	vmul.f32 v48, v24;
	v47 =	vadd.f32 v52, v29;
	v39 =	vadd.f32 v39, v43  }
0x282: {  	v52 =	vmul.f32 v40, v19;
	v45 =	vadd.f32 v45, v6;
	v41 =	vadd.f32 v41, v6  }
0x283: {  	v44 =	vadd.f32 v44, v6;
	v47 =	vmax.f32 v47, $0.0e+00;
	v39 =	vadd.f32 v39, v57  }
0x284: {  	v58 =	vmul.f32 v47, v30;
	v57 =	vadd.f32 v55, v32;
	v55 =	vmax.f32 v49, $0.0e+00  }
0x285: {  	v41 =	vadd.f32 v41, v42;
	v47 =	vmul.f32 v55, v12;
	v39 =	vadd.f32 v39, v60  }
0x286: {  	v48 =	vmax.f32 v57, $0.0e+00;
	v60 =	vmul.f32 v38, v13;
	v57 =	vmul.f32 v38, v16  }
0x287: {  	v61 =	vmul.f32 v48, v33;
	v48 =	vadd.f32 v62, v14;
	v42 =	vadd.f32 v44, v47  }
0x288: {  	v62 =	vmax.f32 v51, $0.0e+00;
	v39 =	vadd.f32 v39, v63;
	v63 =	vmax.f32 v46, $0.0e+00  }
0x289: {  	v46 =	vmax.f32 v54, $0.0e+00;
	v50 =	vadd.f32 v57, v17;
	v43 =	vmul.f32 v63, v12  }
0x28a: {  	v57 =	vmul.f32 v38, v22;
	v48 =	vmax.f32 v48, $0.0e+00;
	v39 =	vadd.f32 v39, v53  }
0x28b: {  	v46 =	vmul.f32 v46, v15;
	v59 =	vmul.f32 v48, v15;
	v43 =	vadd.f32 v45, v43  }
0x28c: {  	v63 =	vmul.f32 v40, v22;
	v39 =	vadd.f32 v39, v56;
	v56 =	vadd.f32 v60, v14  }
0x28d: {  	v53 =	vmul.f32 v38, v19;
	v60 =	vadd.f32 v52, v20;
	v42 =	vadd.f32 v42, v59  }
0x28e: {  	v39 =	vadd.f32 v39, v58;
	v49 =	vmax.f32 v56, $0.0e+00;
	v58 =	vmul.f32 v37, v19  }
0x28f: {  	v43 =	vadd.f32 v43, v46;
	v56 =	vadd.f32 v53, v20;
	v44 =	vmul.f32 v49, v15  }
0x290: {  	v39 =	vadd.f32 v39, v61;
	v61 =	vmax.f32 v50, $0.0e+00;
	v45 =	vadd.f32 v58, v20  }
0x291: {  	v58 =	vmul.f32 v37, v22;
	v41 =	vadd.f32 v41, v44;
	v44 =	vmax.f32 v60, $0.0e+00  }
0x292: {  	v59 =	vmul.f32 v61, v18;
	v60 =	vmul.f32 v62, v18;
	v61 =	vadd.f32 v63, v23  }
0x293: {  	v62 =	vmax.f32 v56, $0.0e+00;
	v63 =	vmul.f32 v40, v25;
	v56 =	vadd.f32 v57, v23  }
0x294: {  	v57 =	vmul.f32 v38, v25;
	v39 =	vadd.f32 v39, v1;
	v1 =	vmul.f32 v40, v16  }
0x295: {  	v45 =	vmax.f32 v45, $0.0e+00;
	v46 =	vadd.f32 v58, v23;
	v58 =	vmul.f32 v37, v25  }
0x296: {  	v44 =	vmul.f32 v44, v21;
	v41 =	vadd.f32 v41, v59;
	v42 =	vadd.f32 v42, v60  }
0x297: {  	v59 =	vmax.f32 v61, $0.0e+00;
	v60 =	vmul.f32 v62, v21;
	v45 =	vmul.f32 v45, v21  }
0x298: {  	v61 =	vadd.f32 v63, v26;
	v62 =	vmax.f32 v56, $0.0e+00;
	v63 =	vmul.f32 v40, v28  }
0x299: {  	v56 =	vadd.f32 v57, v26;
	v57 =	vmul.f32 v38, v28;
	v1 =	vadd.f32 v1, v17  }
0x29a: {  	v46 =	vmax.f32 v46, $0.0e+00;
	v47 =	vmul.f32 v59, v24;
	v41 =	vadd.f32 v41, v60  }
0x29b: {  	v42 =	vadd.f32 v42, v45;
	v59 =	vmax.f32 v61, $0.0e+00;
	v60 =	vmul.f32 v62, v24  }
0x29c: {  	v46 =	vmul.f32 v46, v24;
	v61 =	vadd.f32 v63, v29;
	v62 =	vmax.f32 v56, $0.0e+00  }
0x29d: {  	s30 =	simm.s32 $0xC160;
	v63 =	vmul.f32 v40, v31;
	v56 =	vadd.f32 v57, v29;
	v57 =	vmul.f32 v38, v31  }
0x29e: {  	v49 =	vld [tilespmem:s30+$0x10];
	v40 =	vmul.f32 v40, v34;
	v38 =	vmul.f32 v38, v34;
	v1 =	vmax.f32 v1, $0.0e+00  }
0x29f: {  	v45 =	vmul.f32 v59, v27;
	v1 =	vmul.f32 v1, v18  }
0x2a0: {  	v41 =	vadd.f32 v41, v60;
	v42 =	vadd.f32 v42, v46;
	v59 =	vmax.f32 v61, $0.0e+00  }
0x2a1: {  	v60 =	vmul.f32 v62, v27;
	v61 =	vadd.f32 v63, v32;
	v62 =	vmax.f32 v56, $0.0e+00  }
0x2a2: {  	v63 =	vadd.f32 v57, v32;
	v56 =	vadd.f32 v40, v35;
	v53 =	vmul.f32 v59, v30  }
0x2a3: {  	v38 =	vadd.f32 v38, v35;
	v55 =	vmul.f32 v62, v30;
	v62 =	vmul.f32 v49, v7  }
0x2a4: {  	v1 =	vadd.f32 v43, v1;
	v43 =	vadd.f32 v58, v26;
	v58 =	vmul.f32 v37, v28  }
0x2a5: {  	v41 =	vadd.f32 v41, v60;
	v57 =	vmax.f32 v63, $0.0e+00;
	v48 =	vmax.f32 v56, $0.0e+00  }
0x2a6: {  	v60 =	vmax.f32 v38, $0.0e+00;
	v56 =	vmul.f32 v49, v10;
	v59 =	vmul.f32 v57, v33  }
0x2a7: {  	v54 =	vmax.f32 v61, $0.0e+00;
	v48 =	vmul.f32 v48, v36;
	v61 =	vmul.f32 v60, v36  }
0x2a8: {  	v46 =	vadd.f32 v62, v8;
	v1 =	vadd.f32 v1, v44;
	v43 =	vmax.f32 v43, $0.0e+00  }
0x2a9: {  	v44 =	vadd.f32 v58, v29;
	v58 =	vmul.f32 v37, v31;
	v37 =	vmul.f32 v37, v34  }
0x2aa: {  	v43 =	vmul.f32 v43, v27;
	v46 =	vmax.f32 v46, $0.0e+00;
	v1 =	vadd.f32 v1, v47  }
0x2ab: {  	v44 =	vmax.f32 v44, $0.0e+00;
	v47 =	vadd.f32 v58, v32;
	v37 =	vadd.f32 v37, v35  }
0x2ac: {  	v58 =	vadd.f32 v41, v55;
	v46 =	vmul.f32 v46, v9;
	v55 =	vmul.f32 v49, v19  }
0x2ad: {  	v40 =	vld [tilespmem:s30+$0xFFFFFFF0];
	v42 =	vadd.f32 v42, v43;
	v44 =	vmul.f32 v44, v30;
	v43 =	vmul.f32 v54, v33  }
0x2ae: {  	v41 =	vld [tilespmem:s30+$0x0];
	v1 =	vadd.f32 v1, v45;
	v47 =	vmax.f32 v47, $0.0e+00;
	v37 =	vmax.f32 v37, $0.0e+00  }
0x2af: {  	v45 =	vadd.f32 v58, v59;
	v58 =	vmul.f32 v49, v13;
	v46 =	vadd.f32 v46, v6  }
0x2b0: {  	v59 =	vmul.f32 v49, v16;
	v62 =	vadd.f32 v55, v20;
	v42 =	vadd.f32 v42, v44  }
0x2b1: {  	v47 =	vmul.f32 v47, v33;
	v37 =	vmul.f32 v37, v36;
	v1 =	vadd.f32 v1, v53  }
0x2b2: {  	v52 =	vadd.f32 v58, v14;
	v53 =	vadd.f32 v59, v17;
	v58 =	vmax.f32 v62, $0.0e+00  }
0x2b3: {  	v44 =	vld [tilespmem:s30+$0xFFFFFFE0];
	v38 =	vadd.f32 v42, v47;
	v47 =	vmul.f32 v40, v10;
	v63 =	vmul.f32 v41, v7  }
0x2b4: {  	v42 =	vadd.f32 v45, v61;
	v54 =	vmul.f32 v41, v10;
	v1 =	vadd.f32 v1, v43  }
0x2b5: {  	v52 =	vmax.f32 v52, $0.0e+00;
	v61 =	vmax.f32 v53, $0.0e+00;
	v45 =	vadd.f32 v63, v8  }
0x2b6: {  	v60 =	vmul.f32 v52, v15;
	v63 =	vmul.f32 v49, v22;
	v47 =	vadd.f32 v47, v11  }
0x2b7: {  	v43 =	vadd.f32 v1, v48;
	v1 =	vmul.f32 v40, v7;
	v48 =	vadd.f32 v56, v11  }
0x2b8: {  	v54 =	vadd.f32 v54, v11;
	v57 =	vmul.f32 v44, v7;
	v51 =	vmul.f32 v44, v10  }
0x2b9: {  	v59 =	vadd.f32 v63, v23;
	v45 =	vmax.f32 v45, $0.0e+00;
	v48 =	vmax.f32 v48, $0.0e+00  }
0x2ba: {  	v47 =	vmax.f32 v47, $0.0e+00;
	v1 =	vadd.f32 v1, v8;
	v48 =	vmul.f32 v48, v12  }
0x2bb: {  	v50 =	vadd.f32 v57, v8;
	v57 =	vmul.f32 v61, v18;
	v61 =	vmul.f32 v58, v21  }
0x2bc: {  	v51 =	vadd.f32 v51, v11;
	v45 =	vmul.f32 v45, v9;
	v46 =	vadd.f32 v46, v48  }
0x2bd: {  	v47 =	vmul.f32 v47, v12;
	v62 =	vmax.f32 v59, $0.0e+00;
	v50 =	vmax.f32 v50, $0.0e+00  }
0x2be: {  	v1 =	vmax.f32 v1, $0.0e+00;
	v46 =	vadd.f32 v46, v60;
	v60 =	vmul.f32 v49, v25  }
0x2bf: {  	v58 =	vmul.f32 v62, v24;
	v56 =	vmax.f32 v51, $0.0e+00;
	v50 =	vmul.f32 v50, v9  }
0x2c0: {  	v1 =	vmul.f32 v1, v9;
	v46 =	vadd.f32 v46, v57;
	v63 =	vadd.f32 v60, v26  }
0x2c1: {  	v45 =	vadd.f32 v45, v6;
	v50 =	vadd.f32 v50, v6;
	v57 =	vmul.f32 v49, v28  }
0x2c2: {  	v1 =	vadd.f32 v1, v6;
	v46 =	vadd.f32 v46, v61;
	v59 =	vmax.f32 v63, $0.0e+00  }
0x2c3: {  	v60 =	vadd.f32 v57, v29;
	v61 =	vmul.f32 v49, v31;
	v49 =	vmul.f32 v49, v34  }
0x2c4: {  	v62 =	vmul.f32 v59, v27;
	v59 =	vmul.f32 v44, v13;
	v46 =	vadd.f32 v46, v58  }
0x2c5: {  	v63 =	vmax.f32 v60, $0.0e+00;
	v57 =	vadd.f32 v61, v32;
	v49 =	vadd.f32 v49, v35  }
0x2c6: {  	v60 =	vmul.f32 v40, v13;
	v58 =	vmul.f32 v63, v30;
	v46 =	vadd.f32 v46, v62  }
0x2c7: {  	v53 =	vmax.f32 v57, $0.0e+00;
	v62 =	vmul.f32 v41, v13;
	v49 =	vmax.f32 v49, $0.0e+00  }
0x2c8: {  	v57 =	vadd.f32 v59, v14;
	v59 =	vmul.f32 v44, v16;
	v61 =	vmul.f32 v53, v33  }
0x2c9: {  	v60 =	vadd.f32 v60, v14;
	v63 =	vmul.f32 v49, v36;
	v49 =	vmul.f32 v56, v12  }
0x2ca: {  	v56 =	vmul.f32 v40, v31;
	v46 =	vadd.f32 v46, v58;
	v58 =	vmax.f32 v54, $0.0e+00  }
0x2cb: {  	v53 =	vadd.f32 v62, v14;
	v62 =	vmul.f32 v41, v16;
	v51 =	vmax.f32 v57, $0.0e+00  }
0x2cc: {  	v54 =	vmax.f32 v60, $0.0e+00;
	v57 =	vmul.f32 v40, v19;
	v60 =	vmul.f32 v40, v22  }
0x2cd: {  	v1 =	vadd.f32 v1, v47;
	v52 =	vmul.f32 v58, v12;
	v51 =	vmul.f32 v51, v15  }
0x2ce: {  	v49 =	vadd.f32 v50, v49;
	v58 =	vmul.f32 v41, v19;
	v54 =	vmul.f32 v54, v15  }
0x2cf: {  	v56 =	vadd.f32 v56, v32;
	v46 =	vadd.f32 v46, v61;
	v61 =	vmul.f32 v40, v16  }
0x2d0: {  	v53 =	vmax.f32 v53, $0.0e+00;
	v50 =	vadd.f32 v62, v17;
	v45 =	vadd.f32 v45, v52  }
0x2d1: {  	v62 =	vmul.f32 v44, v25;
	v49 =	vadd.f32 v49, v51;
	v1 =	vadd.f32 v1, v54  }
0x2d2: {  	v53 =	vmul.f32 v53, v15;
	v52 =	vadd.f32 v57, v20;
	v51 =	vadd.f32 v58, v20  }
0x2d3: {  	v57 =	vmul.f32 v41, v25;
	v58 =	vmul.f32 v44, v28;
	v48 =	vadd.f32 v46, v63  }
0x2d4: {  	v46 =	vadd.f32 v59, v17;
	v63 =	vmul.f32 v44, v19;
	v55 =	vadd.f32 v61, v17  }
0x2d5: {  	v50 =	vmax.f32 v50, $0.0e+00;
	v59 =	vmul.f32 v44, v22;
	v61 =	vmul.f32 v41, v22  }
0x2d6: {  	v45 =	vadd.f32 v45, v53;
	v50 =	vmul.f32 v50, v18;
	v52 =	vmax.f32 v52, $0.0e+00  }
0x2d7: {  	v51 =	vmax.f32 v51, $0.0e+00;
	v53 =	vadd.f32 v60, v23;
	v60 =	vmul.f32 v41, v28  }
0x2d8: {  	v46 =	vmax.f32 v46, $0.0e+00;
	v47 =	vadd.f32 v63, v20;
	v63 =	vmul.f32 v40, v25  }
0x2d9: {  	v55 =	vmax.f32 v55, $0.0e+00;
	v52 =	vmul.f32 v52, v21;
	v51 =	vmul.f32 v51, v21  }
0x2da: {  	v54 =	vadd.f32 v59, v23;
	v59 =	vmul.f32 v40, v28;
	v46 =	vmul.f32 v46, v18  }
0x2db: {  	v55 =	vmul.f32 v55, v18;
	v45 =	vadd.f32 v45, v50;
	v53 =	vmax.f32 v53, $0.0e+00  }
0x2dc: {  	v47 =	vmax.f32 v47, $0.0e+00;
	v54 =	vmax.f32 v54, $0.0e+00;
	v50 =	vadd.f32 v63, v26  }
0x2dd: {  	v53 =	vmul.f32 v53, v24;
	v63 =	vmul.f32 v44, v34;
	v46 =	vadd.f32 v49, v46  }
0x2de: {  	v47 =	vmul.f32 v47, v21;
	v1 =	vadd.f32 v1, v55;
	v49 =	vadd.f32 v61, v23  }
0x2df: {  	v55 =	vadd.f32 v62, v26;
	v54 =	vmul.f32 v54, v24;
	v45 =	vadd.f32 v45, v51  }
0x2e0: {  	v61 =	vmul.f32 v44, v31;
	v51 =	vadd.f32 v59, v29;
	v62 =	vmul.f32 v41, v31  }
0x2e1: {  	v50 =	vmax.f32 v50, $0.0e+00;
	v46 =	vadd.f32 v46, v47;
	v49 =	vmax.f32 v49, $0.0e+00  }
0x2e2: {  	v1 =	vadd.f32 v1, v52;
	v47 =	vadd.f32 v57, v26;
	v55 =	vmax.f32 v55, $0.0e+00  }
0x2e3: {  	v52 =	vadd.f32 v58, v29;
	v50 =	vmul.f32 v50, v27;
	v57 =	vmul.f32 v40, v34  }
0x2e4: {  	s25 =	simm.s32 $0xD120;
	v51 =	vmax.f32 v51, $0.0e+00;
	v58 =	vmul.f32 v41, v34;
	v49 =	vmul.f32 v49, v24  }
0x2e5: {  	[tilespmem:s25+$0xFFFFFFF0] =	vst v42;
	v42 =	vadd.f32 v63, v35;
	v55 =	vmul.f32 v55, v27;
	v44 =	vmul.f32 v51, v30  }
0x2e6: {  	v46 =	vadd.f32 v46, v54;
	v47 =	vmax.f32 v47, $0.0e+00;
	v1 =	vadd.f32 v1, v53  }
0x2e7: {  	s26 =	simm.s32 $0xD160;
	v54 =	vadd.f32 v60, v29;
	v52 =	vmax.f32 v52, $0.0e+00;
	v53 =	vadd.f32 v61, v32  }
0x2e8: {  	[tilespmem:s26+$0x10] =	vst v48;
	v48 =	vadd.f32 v57, v35;
	v49 =	vadd.f32 v45, v49;
	v47 =	vmul.f32 v47, v27  }
0x2e9: {  	[tilespmem:s25+$0x10] =	vst v39;
	v39 =	vmul.f32 v52, v30;
	v45 =	vadd.f32 v46, v55;
	v54 =	vmax.f32 v54, $0.0e+00  }
0x2ea: {  	v46 =	vadd.f32 v62, v32;
	v41 =	vadd.f32 v1, v50;
	v1 =	vmax.f32 v53, $0.0e+00  }
0x2eb: {  	[tilespmem:s25+$0xFFFFFFE0] =	vst v43;
	v50 =	vmax.f32 v56, $0.0e+00;
	v40 =	vadd.f32 v49, v47;
	v43 =	vmul.f32 v54, v30  }
0x2ec: {  	s28 =	simm.s32 $0x4;
	s29 =	simm.s32 $0xC1A0;
	v47 =	vmul.f32 v1, v33;
	v49 =	vadd.f32 v58, v35;
	v46 =	vmax.f32 v46, $0.0e+00  }
.LBB2_36:
0x2ed: {  	v1 =	vld [tilespmem:s29+$0x10];
	s28 =	sadd.s32 $0x4, s28;
	v45 =	vadd.f32 v45, v39;
	v44 =	vadd.f32 v41, v44;
	v50 =	vmul.f32 v50, v33  }
0x2ee: {  	v42 =	vmax.f32 v42, $0.0e+00;
	v43 =	vadd.f32 v40, v43;
	v46 =	vmul.f32 v46, v33;
	v39 =	vld [tilespmem:s29+$0xFFFFFFF0];
	p1 =	slt.u32 s28, $0xF4  }
0x2ef: {  	v40 =	vld [tilespmem:s29+$0x0];
	v45 =	vadd.f32 v45, v47;
	v47 =	vmax.f32 v48, $0.0e+00;
	v48 =	vmax.f32 v49, $0.0e+00  }
0x2f0: {  	v42 =	vmul.f32 v42, v36;
	v44 =	vadd.f32 v44, v50;
	v43 =	vadd.f32 v43, v46;
	v41 =	vld [tilespmem:s29+$0xFFFFFFE0]  }
0x2f1: {  	v46 =	vmul.f32 v47, v36;
	v47 =	vadd.f32 v38, v37;
	v37 =	vmul.f32 v48, v36  }
0x2f2: {  	v42 =	vadd.f32 v45, v42;
	v38 =	vmov v43;
	v48 =	vmul.f32 v1, v7  }
0x2f3: {  	v44 =	vadd.f32 v44, v46;
	v43 =	vmul.f32 v39, v7;
	v45 =	vmul.f32 v39, v10;
	[tilespmem:s25+$0x0] =	vst v47;
	s25 =	smov.u32 s26  }
0x2f4: {  	v46 =	vmul.f32 v40, v7;
	v47 =	vadd.f32 v48, v8;
	v48 =	vmul.f32 v1, v10;
	[tilespmem:s26+$0xFFFFFFE0] =	vst v42  }
0x2f5: {  	v42 =	vmul.f32 v41, v7;
	v49 =	vmul.f32 v41, v10;
	v43 =	vadd.f32 v43, v8;
	[tilespmem:s26+$0xFFFFFFF0] =	vst v44  }
0x2f6: {  	v44 =	vmax.f32 v47, $0.0e+00;
	v47 =	vadd.f32 v48, v11;
	v48 =	vmul.f32 v1, v13  }
0x2f7: {  	v46 =	vadd.f32 v46, v8;
	v42 =	vadd.f32 v42, v8;
	v44 =	vmul.f32 v44, v9  }
0x2f8: {  	v50 =	vmul.f32 v1, v16;
	v47 =	vmax.f32 v47, $0.0e+00;
	v48 =	vadd.f32 v48, v14  }
0x2f9: {  	v51 =	vmul.f32 v40, v10;
	v44 =	vadd.f32 v44, v6;
	v47 =	vmul.f32 v47, v12  }
0x2fa: {  	v52 =	vmul.f32 v1, v19;
	v50 =	vadd.f32 v50, v17;
	v48 =	vmax.f32 v48, $0.0e+00  }
0x2fb: {  	v42 =	vmax.f32 v42, $0.0e+00;
	v44 =	vadd.f32 v44, v47;
	v47 =	vmul.f32 v48, v15  }
0x2fc: {  	v48 =	vmax.f32 v50, $0.0e+00;
	v50 =	vadd.f32 v52, v20;
	v52 =	vmul.f32 v1, v22  }
0x2fd: {  	v43 =	vmax.f32 v43, $0.0e+00;
	v44 =	vadd.f32 v44, v47;
	v47 =	vmul.f32 v48, v18  }
0x2fe: {  	v48 =	vmax.f32 v50, $0.0e+00;
	v50 =	vadd.f32 v52, v23;
	v52 =	vmul.f32 v1, v25  }
0x2ff: {  	v46 =	vmax.f32 v46, $0.0e+00;
	v44 =	vadd.f32 v44, v47;
	v47 =	vmul.f32 v48, v21  }
0x300: {  	v48 =	vmax.f32 v50, $0.0e+00;
	v50 =	vadd.f32 v52, v26;
	v52 =	vmul.f32 v1, v28  }
0x301: {  	v49 =	vadd.f32 v49, v11;
	v44 =	vadd.f32 v44, v47;
	v47 =	vmul.f32 v48, v24  }
0x302: {  	v48 =	vmax.f32 v50, $0.0e+00;
	v50 =	vadd.f32 v52, v29;
	v52 =	vmul.f32 v1, v31  }
0x303: {  	v45 =	vadd.f32 v45, v11;
	v44 =	vadd.f32 v44, v47;
	v47 =	vmul.f32 v48, v27  }
0x304: {  	v1 =	vmul.f32 v1, v34;
	v48 =	vmax.f32 v50, $0.0e+00;
	v50 =	vadd.f32 v52, v32  }
0x305: {  	v51 =	vadd.f32 v51, v11;
	v44 =	vadd.f32 v44, v47;
	v47 =	vmul.f32 v48, v30  }
0x306: {  	v1 =	vadd.f32 v1, v35;
	v48 =	vmul.f32 v41, v13;
	v50 =	vmax.f32 v50, $0.0e+00  }
0x307: {  	v52 =	vmul.f32 v39, v13;
	v44 =	vadd.f32 v44, v47;
	v47 =	vmul.f32 v50, v33  }
0x308: {  	v42 =	vmul.f32 v42, v9;
	v1 =	vmax.f32 v1, $0.0e+00;
	v50 =	vmul.f32 v40, v13  }
0x309: {  	v43 =	vmul.f32 v43, v9;
	v1 =	vmul.f32 v1, v36;
	v44 =	vadd.f32 v44, v47  }
0x30a: {  	v45 =	vmax.f32 v45, $0.0e+00;
	v46 =	vmul.f32 v46, v9;
	v47 =	vmax.f32 v49, $0.0e+00  }
0x30b: {  	v48 =	vadd.f32 v48, v14;
	v49 =	vmax.f32 v51, $0.0e+00;
	v1 =	vadd.f32 v44, v1  }
0x30c: {  	s26 =	sadd.s32 $0x40, s26;
	v51 =	vadd.f32 v52, v14;
	v50 =	vadd.f32 v50, v14;
	v44 =	vmul.f32 v41, v16  }
0x30d: {  	s30 =	simm.s32 $0x0;
	v53 =	vmul.f32 v40, v16;
	v42 =	vadd.f32 v42, v6;
	v52 =	vmul.f32 v39, v16;
	[tilespmem:s26+$0x10] =	vst v1  }
0x30e: {  	v43 =	vadd.f32 v43, v6;
	v46 =	vadd.f32 v46, v6;
	v1 =	vmul.f32 v47, v12  }
0x30f: {  	v45 =	vmul.f32 v45, v12;
	v47 =	vmax.f32 v48, $0.0e+00;
	v48 =	vmul.f32 v49, v12  }
0x310: {  	v50 =	vmax.f32 v50, $0.0e+00;
	v44 =	vadd.f32 v44, v17;
	v49 =	vmax.f32 v51, $0.0e+00  }
0x311: {  	v53 =	vadd.f32 v53, v17;
	v52 =	vadd.f32 v52, v17;
	v51 =	vmul.f32 v41, v19  }
0x312: {  	v54 =	vmul.f32 v40, v19;
	v1 =	vadd.f32 v42, v1;
	v42 =	vmul.f32 v39, v19  }
0x313: {  	v43 =	vadd.f32 v43, v45;
	v47 =	vmul.f32 v47, v15;
	v45 =	vadd.f32 v46, v48  }
0x314: {  	v44 =	vmax.f32 v44, $0.0e+00;
	v46 =	vmul.f32 v49, v15;
	v48 =	vmul.f32 v50, v15  }
0x315: {  	v49 =	vadd.f32 v51, v20;
	v50 =	vmax.f32 v52, $0.0e+00;
	v51 =	vmax.f32 v53, $0.0e+00  }
0x316: {  	v52 =	vmul.f32 v41, v22;
	v53 =	vadd.f32 v54, v20;
	v42 =	vadd.f32 v42, v20  }
0x317: {  	v54 =	vmul.f32 v40, v22;
	v1 =	vadd.f32 v1, v47;
	v47 =	vmul.f32 v39, v22  }
0x318: {  	v44 =	vmul.f32 v44, v18;
	v43 =	vadd.f32 v43, v46;
	v45 =	vadd.f32 v45, v48  }
0x319: {  	v46 =	vmax.f32 v49, $0.0e+00;
	v48 =	vmul.f32 v50, v18;
	v49 =	vmul.f32 v51, v18  }
0x31a: {  	v50 =	vadd.f32 v52, v23;
	v51 =	vmax.f32 v53, $0.0e+00;
	v42 =	vmax.f32 v42, $0.0e+00  }
0x31b: {  	v52 =	vmul.f32 v41, v25;
	v53 =	vadd.f32 v54, v23;
	v47 =	vadd.f32 v47, v23  }
0x31c: {  	v54 =	vmul.f32 v40, v25;
	v1 =	vadd.f32 v1, v44;
	v44 =	vmul.f32 v39, v25  }
0x31d: {  	v46 =	vmul.f32 v46, v21;
	v43 =	vadd.f32 v43, v48;
	v45 =	vadd.f32 v45, v49  }
0x31e: {  	v48 =	vmax.f32 v50, $0.0e+00;
	v49 =	vmul.f32 v51, v21;
	v42 =	vmul.f32 v42, v21  }
0x31f: {  	v50 =	vadd.f32 v52, v26;
	v51 =	vmax.f32 v53, $0.0e+00;
	v47 =	vmax.f32 v47, $0.0e+00  }
0x320: {  	v52 =	vmul.f32 v41, v28;
	v53 =	vadd.f32 v54, v26;
	v44 =	vadd.f32 v44, v26  }
0x321: {  	v54 =	vmul.f32 v40, v28;
	v1 =	vadd.f32 v1, v46;
	v46 =	vmul.f32 v39, v28  }
0x322: {  	v48 =	vmul.f32 v48, v24;
	v42 =	vadd.f32 v43, v42;
	v43 =	vadd.f32 v45, v49  }
0x323: {  	v45 =	vmax.f32 v50, $0.0e+00;
	v47 =	vmul.f32 v47, v24;
	v49 =	vmul.f32 v51, v24  }
0x324: {  	v50 =	vadd.f32 v52, v29;
	v51 =	vmax.f32 v53, $0.0e+00;
	v44 =	vmax.f32 v44, $0.0e+00  }
0x325: {  	v52 =	vmul.f32 v41, v31;
	v53 =	vadd.f32 v54, v29;
	v46 =	vadd.f32 v46, v29  }
0x326: {  	v54 =	vmul.f32 v40, v31;
	v1 =	vadd.f32 v1, v48;
	v48 =	vmul.f32 v39, v31  }
0x327: {  	v45 =	vmul.f32 v45, v27;
	v42 =	vadd.f32 v42, v47;
	v43 =	vadd.f32 v43, v49  }
0x328: {  	v47 =	vmax.f32 v50, $0.0e+00;
	v44 =	vmul.f32 v44, v27;
	v49 =	vmul.f32 v51, v27  }
0x329: {  	v50 =	vadd.f32 v52, v32;
	v51 =	vmax.f32 v53, $0.0e+00;
	v46 =	vmax.f32 v46, $0.0e+00  }
0x32a: {  	v52 =	vmul.f32 v41, v34;
	v53 =	vadd.f32 v54, v32;
	v48 =	vadd.f32 v48, v32  }
.Ltmp18:
0x32b: {  	v54 =	vmul.f32 v40, v34;
	v45 =	vadd.f32 v1, v45;
	v1 =	vmul.f32 v39, v34;
	(pc) =	sbr.rel @p1 .LBB2_36-.Ltmp18, $4  }
0x32c: {  	v39 =	vmul.f32 v47, v30;
	v41 =	vadd.f32 v42, v44;
	v40 =	vadd.f32 v43, v49  }
0x32d: {  	v47 =	vmax.f32 v50, $0.0e+00;
	v44 =	vmul.f32 v46, v30;
	v43 =	vmul.f32 v51, v30  }
0x32e: {  	v42 =	vadd.f32 v52, v35;
	v46 =	vmax.f32 v53, $0.0e+00;
	v50 =	vmax.f32 v48, $0.0e+00  }
0x32f: {  	s29 =	sadd.s32 $0x40, s29;
	v49 =	vadd.f32 v54, v35;
	v47 =	vmul.f32 v47, v33;
	v48 =	vadd.f32 v1, v35  }
0x330: {  	v1 =	vadd.f32 v45, v39  }
0x331: {  	v56 =	vadd.f32 v41, v44;
	v57 =	vmul.f32 v50, v33;
	v42 =	vmax.f32 v42, $0.0e+00  }
0x332: {  	v40 =	vadd.f32 v40, v43;
	v58 =	vmul.f32 v46, v33;
	v37 =	vadd.f32 v38, v37  }
0x333: {  	v59 =	vmax.f32 v48, $0.0e+00;
	v42 =	vmul.f32 v42, v36;
	v1 =	vadd.f32 v1, v47  }
0x334: {  	v60 =	vmax.f32 v49, $0.0e+00;
	v39 =	vadd.f32 v56, v57;
	v61 =	vmul.f32 v59, v36  }
0x335: {  	v62 =	vadd.f32 v40, v58;
	v63 =	vmul.f32 v60, v36;
	v1 =	vadd.f32 v1, v42  }
0x336: {  	[tilespmem:s25+$0x0] =	vst v37;
	v39 =	vadd.f32 v39, v61  }
0x337: {  	[tilespmem:s26+$0xFFFFFFE0] =	vst v1;
	v1 =	vadd.f32 v62, v63  }
0x338: {  	[tilespmem:s26+$0xFFFFFFF0] =	vst v39  }
0x339: {  	[tilespmem:s26+$0x0] =	vst v1  }
.LBB2_38:
0x33a: {  	s25 =	sshra.s32 s30, $0x2  }
0x33b: {  	v1 =	vld [tilespmem:s25+$0xD080];
	_ =	sdelay $0x4  }
0x33c: {  	v37 =	vmul.f32 v1, v7;
	_ =	sdelay $0x1  }
0x33d: {  	v38 =	vmul.f32 v1, v10;
	v37 =	vadd.f32 v37, v8;
	_ =	sdelay $0x1  }
0x33e: {  	v39 =	vmul.f32 v1, v13;
	v38 =	vadd.f32 v38, v11;
	v37 =	vmax.f32 v37, $0.0e+00  }
0x33f: {  	v37 =	vmul.f32 v37, v9  }
0x340: {  	v40 =	vmul.f32 v1, v16;
	v39 =	vadd.f32 v39, v14;
	v38 =	vmax.f32 v38, $0.0e+00  }
0x341: {  	v38 =	vmul.f32 v38, v12;
	v37 =	vadd.f32 v37, v6  }
0x342: {  	v41 =	vmul.f32 v1, v19;
	v40 =	vadd.f32 v40, v17;
	v39 =	vmax.f32 v39, $0.0e+00  }
0x343: {  	v62 =	vmul.f32 v39, v15;
	v37 =	vadd.f32 v37, v38  }
0x344: {  	v45 =	vmul.f32 v1, v22;
	v44 =	vadd.f32 v41, v20;
	v63 =	vmax.f32 v40, $0.0e+00  }
0x345: {  	v46 =	vmul.f32 v63, v18;
	v37 =	vadd.f32 v37, v62  }
0x346: {  	v49 =	vmul.f32 v1, v25;
	v48 =	vadd.f32 v45, v23;
	v47 =	vmax.f32 v44, $0.0e+00  }
0x347: {  	v50 =	vmul.f32 v47, v21;
	v37 =	vadd.f32 v37, v46  }
0x348: {  	v53 =	vmul.f32 v1, v28;
	v52 =	vadd.f32 v49, v26;
	v51 =	vmax.f32 v48, $0.0e+00  }
0x349: {  	v54 =	vmul.f32 v51, v24;
	v37 =	vadd.f32 v37, v50  }
0x34a: {  	v57 =	vmul.f32 v1, v31;
	v56 =	vadd.f32 v53, v29;
	v55 =	vmax.f32 v52, $0.0e+00  }
0x34b: {  	v58 =	vmul.f32 v55, v27;
	v37 =	vadd.f32 v37, v54  }
0x34c: {  	v1 =	vmul.f32 v1, v34;
	v60 =	vadd.f32 v57, v32;
	v59 =	vmax.f32 v56, $0.0e+00  }
0x34d: {  	v61 =	vmul.f32 v59, v30;
	v37 =	vadd.f32 v37, v58  }
0x34e: {  	v1 =	vadd.f32 v1, v35;
	v62 =	vmax.f32 v60, $0.0e+00  }
0x34f: {  	v63 =	vmul.f32 v62, v33;
	v37 =	vadd.f32 v37, v61  }
0x350: {  	p1 =	sne.s32 s30, $0x40;
	v1 =	vmax.f32 v1, $0.0e+00  }
.Ltmp19:
0x351: {  	v1 =	vmul.f32 v1, v36;
	v37 =	vadd.f32 v37, v63;
	(pc) =	sbr.rel @p1 .LBB2_38-.Ltmp19, $3  }
0x352: {  	_ = 	snop  }
0x353: {  	v1 =	vadd.f32 v37, v1;
	_ =	sdelay $0x1  }
0x354: {  	s30 =	sadd.s32 $0x40, s30;
	[tilespmem:s25+$0xE080] =	vst v1  }
0x355: {  	s24 =	sadd.s32 s22, s24;
	s23 =	sadd.s32 $0x1, s23  }
0x356: {  	s24 =	sshrl.u32 s24, $0x3;
	p1 =	sne.s32 s23, $0x10  }
.Ltmp20:
0x357: {  	s24 =	sadd.s32 s6, s24;
	(pc) =	sbr.rel @p1 .LBB2_35-.Ltmp20, $4  }
0x358: {  	[hbm4b:s24+s8] =	stream.linear.scatter [tilespmem:s19], [sflag:$0x3], $0xFA0, $0x38;
	[tilespmem:$0x1ED08] =	vst v63  }
0x359: {  	_ =	swait.ge [sflag:s2], $0xFA0  }
0x35a: {  	[sflag:s2] =	ssyncset.done $0x0  }
0x35b: {  	[sflag:s2] =	ssyncadd.s32 $0xFFFFF060  }
0x35c: {  	s21 =	sadd.s32 $0x1, s21  }
0x35d: {  	p1 =	sne.s32 s21, $0xA  }
.Ltmp21:
0x35e: {  	_ = 	snop;
	(pc) =	sbr.rel @p1 .LBB2_10-.Ltmp21, $3  }
0x35f: {  	_ =	sdelay $0x1  }
0x360: {  	[bflag:$0x0] =	sbarrier.arrive $0xFFFF  }
0x361: {  	v1 =	vimm.f32 $1.000000000e+00  }
0x362: {  	s20 =	sadd.s32 $0x1, s20;
	s21 =	rddreg [dreg:$0x9]  }
0x363: {  	p1 =	sne.s32 s20, s21  }
.Ltmp22:
0x364: {  	_ = 	snop;
	(pc) =	sbr.rel @p1 .LBB2_1-.Ltmp22, $1  }
0x365: {  	_ =	sdelay $0x3  }
0x366: {  	_ =	sfence.sel $0x180000  }
0x367: {  	[bflag:$0x0] =	sbarrier.arrive $0xFFFF  }
0x368: {  	_ =	strace $0x90000047  }
0x369: {  	[bflag:$0x2] =	sbarrier.arrive $0xFFFF  }
0x36a: {  	s0 =	rddreg [dreg:$0x7]  }
0x36b: {  	s0 =	sadd.s32 @!p0 $0x100000, s0  }
0x36c: {  	[sflag:s0] =	ssyncadd.tile.s32 @!p0 $0x1;
	_ =	shalt  }
.Lfunc_end2:
_tile_overlayer_lowered:
.L_overlay_start_2:
0x36d: {  	(tag) =	ssettag $0x2  }
0x36e: {  	s0 =	rddreg [dreg:$0x0];
	s2 =	stileid.u32  }
0x36f: {  	s1 =	rddreg [dreg:$0x1];
	p0 =	sne.s32 s2, $0x0  }
0x370: {  	s3 =	rddreg [dreg:$0x2];
	[bflag:$0x3] =	sbarrier.arrive $0xFFFF;
	s2 =	simm.s32 @!p0 $0x1C03  }
0x371: {  	[timem:s3], [sflag:s2] =	dma.local @!p0 [hbm:s0], s1  }
0x372: {  	s0 =	simm.s32 @!p0 $0x3  }
0x373: {  	_ =	swait.ge @!p0 [sflag:s0], s1  }
0x374: {  	s1 =	ssub.s32 @!p0 $0x0, s1;
	[sflag:s0] =	ssyncset.done @!p0 $0x0  }
0x375: {  	[sflag:s0] =	ssyncadd.s32 @!p0 s1  }
0x376: {  	[bflag:$0x3] =	sbarrier.arrive $0xFFFF  }
0x377: {  	_ =	shalt  }

</sc_bundles>
